<compile_context>
chip_gen: v7x
topology: tpu7x:2x2x1
jax: 0.10.2.dev20260603
libtpu: 0.0.44.dev20260713+nightly
codegen_flags: <defaults>
</compile_context>

<pallas_src>
import functools

import jax
import jax.numpy as jnp
from jax import lax
from jax.experimental import pallas as pl
from jax.experimental.pallas import tpu as pltpu
from jax.experimental.pallas import tpu_sc as plsc

W = 16
KSH = 8
QSH = 32
TOPK = 32
D = 768
S = W * KSH
Q = W * QSH

CF = 64
NCF = Q // CF
CT = 64
NCT = Q // CT

_NC = 2
_NS = 16
_NW = _NC * _NS
_B = S * TOPK
_BPW = _B // _NW


def _dense_body(sup_ref, q_ref, cls_ref, idx_ref, acc_ref, work_ref, supt_ref,
                idxk_ref):
    supt_ref[...] = sup_ref[...].T
    supt = supt_ref[...]
    sup_n = jnp.sum(supt * supt, axis=0, keepdims=True)
    rep = (lax.broadcasted_iota(jnp.int32, (W, S), 1) // KSH
           == lax.broadcasted_iota(jnp.int32, (W, S), 0)).astype(jnp.float32)

    for c in range(NCF):
        rows = pl.ds(c * CF, CF)
        qc = q_ref[rows, :]
        dot = jnp.dot(qc, supt, preferred_element_type=jnp.float32,
                      precision=lax.Precision.HIGHEST)
        q_n = jnp.sum(qc * qc, axis=1, keepdims=True)
        logits = 2.0 * dot - sup_n - q_n

        m = jnp.max(logits, axis=1, keepdims=True)
        e = jnp.exp(logits - m)
        p = e / jnp.sum(e, axis=1, keepdims=True)
        ent_sim = jnp.maximum(-jnp.sum(p * jnp.log(p + 0.001), axis=1,
                                       keepdims=True), 0.0)

        cc = cls_ref[rows, :]
        cm = jnp.max(cc, axis=1, keepdims=True)
        ce = jnp.exp(cc - cm)
        cp = ce / jnp.sum(ce, axis=1, keepdims=True)
        exp_p = jnp.dot(cp, rep, preferred_element_type=jnp.float32,
                        precision=lax.Precision.HIGHEST)
        ent_exp = jnp.maximum(-jnp.sum(exp_p * jnp.log(exp_p + 0.001),
                                       axis=1, keepdims=True), 0.0)

        work_ref[rows, :] = (exp_p / (1.0 + ent_exp)
                             + p / (1.0 + ent_sim))

    iota32 = lax.broadcasted_iota(jnp.int32, (32, S), 0)
    chunk_iota = lax.broadcasted_iota(jnp.int32, (16, S), 0)
    way_lo = (lax.broadcasted_iota(jnp.int32, (1, S), 1) // KSH) * QSH
    big = jnp.int32(1 << 30)
    neg_inf = jnp.float32(-jnp.inf)
    one = jnp.int32(1)

    def step(k, carry):
        picked, correct = carry
        best_v = jnp.full((1, S), neg_inf, jnp.float32)
        best_i = jnp.full((1, S), big, jnp.int32)
        for c in range(16):
            wc = work_ref[pl.ds(c * 32, 32), :]
            excl = (picked[c:c + 1, :] >> iota32) & one
            wc = jnp.where(excl == one, neg_inf, wc)
            cmax = jnp.max(wc, axis=0, keepdims=True)
            cidx = jnp.min(jnp.where(wc == cmax, iota32 + (c * 32), big),
                           axis=0, keepdims=True)
            better = cmax > best_v
            best_i = jnp.where(better, cidx, best_i)
            best_v = jnp.where(better, cmax, best_v)
        idxk_ref[pl.ds(k, 1), :] = best_i
        picked = picked | jnp.where(chunk_iota == (best_i >> 5),
                                    one << (best_i & 31), 0)
        inside = jnp.logical_and(best_i >= way_lo,
                                 best_i <= way_lo + (QSH - 1))
        return picked, correct + inside.astype(jnp.float32)

    _, correct = lax.fori_loop(
        0, TOPK, step,
        (jnp.zeros((16, S), jnp.int32), jnp.zeros((1, S), jnp.float32)))
    acc_ref[...] = (jnp.sum(correct) / jnp.float32(S * TOPK)).reshape(1, 1)
    idx_ref[...] = idxk_ref[...].T


_dense_call = pl.pallas_call(
    _dense_body,
    out_shape=(
        jax.ShapeDtypeStruct((S, TOPK), jnp.int32),
        jax.ShapeDtypeStruct((1, 1), jnp.float32),
    ),
    in_specs=[
        pl.BlockSpec(memory_space=pltpu.VMEM),
        pl.BlockSpec(memory_space=pltpu.VMEM),
        pl.BlockSpec(memory_space=pltpu.VMEM),
    ],
    out_specs=(
        pl.BlockSpec(memory_space=pltpu.VMEM),
        pl.BlockSpec(memory_space=pltpu.VMEM),
    ),
    scratch_shapes=[
        pltpu.VMEM((Q, S), jnp.float32),
        pltpu.VMEM((D, S), jnp.float32),
        pltpu.VMEM((TOPK, S), jnp.int32),
    ],
)


_NCH = 4
_CH = _BPW // _NCH


def _sc_gather_body(table_hbm, idx_hbm, out_hbm,
                    idx_v, r0, r1, r2, r3, gsem, ssem):
    wid = lax.axis_index("s") * _NC + lax.axis_index("c")
    base = wid * _BPW
    pltpu.sync_copy(idx_hbm.at[pl.ds(base, _BPW)], idx_v)
    rrefs = (r0, r1, r2, r3)
    gathers = [
        pltpu.async_copy(table_hbm.at[idx_v.at[pl.ds(c * _CH, _CH)]],
                         rrefs[c], gsem)
        for c in range(_NCH)
    ]
    stores = []
    for c in range(_NCH):
        gathers[c].wait()
        stores.append(
            pltpu.async_copy(rrefs[c],
                             out_hbm.at[pl.ds(base + c * _CH, _CH)], ssem))
    for st in stores:
        st.wait()


@functools.cache
def _sc_gather():
    return pl.kernel(
        _sc_gather_body,
        out_type=jax.ShapeDtypeStruct((_B, D), jnp.float32),
        mesh=plsc.VectorSubcoreMesh(core_axis_name="c", subcore_axis_name="s"),
        scratch_types=[
            pltpu.VMEM((_BPW,), jnp.int32),
            pltpu.VMEM((_CH, D), jnp.float32),
            pltpu.VMEM((_CH, D), jnp.float32),
            pltpu.VMEM((_CH, D), jnp.float32),
            pltpu.VMEM((_CH, D), jnp.float32),
            pltpu.SemaphoreType.DMA,
            pltpu.SemaphoreType.DMA,
        ],
    )


def kernel(support_embeddings, query_embeddings, classification_results):
    idx_km, acc = _dense_call(support_embeddings, query_embeddings,
                              classification_results)
    flat_idx = idx_km.reshape(_B)
    sampled = _sc_gather()(query_embeddings, flat_idx)
    return sampled.reshape(W, KSH * TOPK, D), acc[0, 0]

# --- scband reference (transcript-rebuilt; emitter-appended) ---
"""Pipeline reference for scband-sampler-33938831573202 (READ-ONLY COPY).

The authoritative reference and input builder live on the scoring server;
editing this copy changes nothing except your own understanding.
"""

import jax, jax.numpy as jnp
import numpy as np

NUM_WAYS = 16
NUM_K_SHOTS = 8
NUM_Q_SHOTS = 32
TOP_K = 32
FEATURE_DIM = 768
S = NUM_WAYS * NUM_K_SHOTS        # 128 support rows
Q = NUM_WAYS * NUM_Q_SHOTS        # 512 query rows


def setup_inputs(seed: int = 0) -> dict:
    key = jax.random.key(seed)
    k1, k2, k3 = jax.random.split(key, 3)
    support_embeddings = jax.random.normal(k1, (S, FEATURE_DIM), dtype=jnp.float32)
    query_embeddings = jax.random.normal(k2, (Q, FEATURE_DIM), dtype=jnp.float32)
    classification_results = jax.random.normal(k3, (Q, NUM_WAYS), dtype=jnp.float32)
    return {
        'support_embeddings': support_embeddings,
        'query_embeddings': query_embeddings,
        'classification_results': classification_results,
    }


def _euclidean_distance(x, y):
    # x: [N, D], y: [M, D] -> [N, M] squared euclidean distance
    diff = x[:, None, :] - y[None, :, :]
    return jnp.sum(diff * diff, axis=2)


def _entropy(p):
    eps = 0.001
    e = -jnp.sum(p * jnp.log(p + eps), axis=-1)
    return jnp.maximum(e, 0.0)


def reference(support_embeddings, query_embeddings, classification_results):
    similarity_matrix = _euclidean_distance(support_embeddings, query_embeddings)  # [S, Q]
    classification_probabilities = jax.nn.softmax(classification_results, axis=1)  # [Q, W]
    expanded_probability_tensor = jnp.concatenate(
        [jnp.repeat(classification_probabilities[:, i:i + 1], NUM_K_SHOTS, axis=1)
         for i in range(classification_probabilities.shape[1])], axis=1)  # [Q, W*K] == [Q, S]
    similarity_probabilities = jax.nn.softmax(-similarity_matrix.T, axis=-1)  # [Q, S]
    similarity_entropy = _entropy(similarity_probabilities)  # [Q]
    expanded_entropy = _entropy(expanded_probability_tensor)  # [Q]
    combined_similarity = (expanded_probability_tensor.T / (1.0 + expanded_entropy)
                           + similarity_probabilities.T / (1.0 + similarity_entropy))  # [S, Q]
    combined_similarity = combined_similarity.reshape(NUM_WAYS, 1, -1)
    combined_similarity = combined_similarity.reshape(NUM_WAYS, NUM_K_SHOTS, -1)  # [W, K, Q]
    top_k_values, top_k_indices = jax.lax.top_k(combined_similarity, TOP_K)  # [W, K, TOP_K]
    # accuracy: fraction of top-k indices falling in that way's query block
    class_ids = jnp.arange(NUM_WAYS)[:, None, None]
    min_index = class_ids * NUM_Q_SHOTS
    max_index = (class_ids + 1) * NUM_Q_SHOTS - 1
    correct = jnp.logical_and(top_k_indices >= min_index, top_k_indices <= max_index).astype(jnp.float32)
    accuracy_scores = jnp.sum(correct, axis=2) / float(TOP_K)  # [W, K]
    mean_accuracy = jnp.mean(accuracy_scores)
    flattened_top_k_indices = top_k_indices.reshape(-1, TOP_K)  # [W*K, TOP_K]
    selected_features_tensor = jnp.take(query_embeddings, flattened_top_k_indices, axis=0)  # [W*K, TOP_K, D]
    sampled_data = selected_features_tensor.reshape(NUM_WAYS, NUM_K_SHOTS * TOP_K, FEATURE_DIM)
    return (sampled_data, mean_accuracy)

if __name__ == "__main__":
    import jax
    _d = setup_inputs()
    print(jax.jit(kernel)(*tuple(_d.values())))

</pallas_src>

<mosaic_0001>
#map = affine_map<(d0, d1) -> (0, 0)>
#map1 = affine_map<(d0, d1) -> (0)>
module attributes {stable_mosaic.version = 14 : i64} {
  func.func @_sc_gather_body(%arg0: i32, %arg1: i32, %arg2: memref<512x768xf32, #tpu.memory_space<hbm>>, %arg3: memref<4096xi32, #tpu.memory_space<hbm>>, %arg4: memref<4096x768xf32, #tpu.memory_space<hbm>>, %arg5: memref<128xi32, #tpu.memory_space<vmem>>, %arg6: memref<32x768xf32, #tpu.memory_space<vmem>>, %arg7: memref<32x768xf32, #tpu.memory_space<vmem>>, %arg8: memref<32x768xf32, #tpu.memory_space<vmem>>, %arg9: memref<32x768xf32, #tpu.memory_space<vmem>>, %arg10: memref<!tpu.dma_semaphore, #tpu.memory_space<semaphore_mem>>, %arg11: memref<!tpu.dma_semaphore, #tpu.memory_space<semaphore_mem>>) attributes {dimension_semantics = [#tpu.dimension_semantics<core_parallel>, #tpu.dimension_semantics<subcore_parallel>], iteration_bounds = array<i64: 2, 16>, scalar_prefetch = 0 : i64, scratch_operands = 7 : i64, tpu.core_type = #tpu.core_type<sc_vector_subcore>, window_params = [{transform_indices = #map}, {transform_indices = #map1}, {transform_indices = #map}]} {
    %mul3A = arith.constant 2 : i32
    %mul3A_0 = arith.muli %arg1, %mul3A : i32
    %add3A = arith.addi %mul3A_0, %arg0 : i32
    %mul3A_1 = arith.constant 128 : i32
    %mul3A_2 = arith.muli %add3A, %mul3A_1 : i32
    "tpu.region"() ({
      %run_scoped3A = tpu.sem_alloc : memref<!tpu.dma_semaphore, #tpu.memory_space<semaphore_mem>>
      %dma_start3A_81 = tpu.memref_slice %arg3[%mul3A_2] : memref<4096xi32, #tpu.memory_space<hbm>> -> memref<128xi32, #tpu.memory_space<hbm>>
      %dma_start3A_82 = tpu.memref_slice %arg3[%mul3A_2] : memref<4096xi32, #tpu.memory_space<hbm>> -> memref<128xi32, #tpu.memory_space<hbm>>
      tpu.enqueue_dma source(%dma_start3A_82 : memref<128xi32, #tpu.memory_space<hbm>>) target(%arg5 : memref<128xi32, #tpu.memory_space<vmem>>) target_semaphore(%run_scoped3A : memref<!tpu.dma_semaphore, #tpu.memory_space<semaphore_mem>>)
      %dma_wait3A_83 = tpu.memref_slice %arg3[%mul3A_2] : memref<4096xi32, #tpu.memory_space<hbm>> -> memref<128xi32, #tpu.memory_space<hbm>>
      %dma_wait3A_84 = tpu.memref_slice %arg3[%mul3A_2] : memref<4096xi32, #tpu.memory_space<hbm>> -> memref<128xi32, #tpu.memory_space<hbm>>
      tpu.wait_dma2 semaphore(%run_scoped3A : memref<!tpu.dma_semaphore, #tpu.memory_space<semaphore_mem>>) src(%dma_wait3A_84 : memref<128xi32, #tpu.memory_space<hbm>>) dst(%arg5 : memref<128xi32, #tpu.memory_space<vmem>>)
      tpu.yield
    }) : () -> ()
    %dma_start3A = arith.constant 0 : i32
    %dma_start3A_3 = tpu.memref_slice %arg5[%dma_start3A] : memref<128xi32, #tpu.memory_space<vmem>> -> memref<32xi32, #tpu.memory_space<vmem>>
    %dma_start3A_4 = arith.constant 0 : i32
    %dma_start3A_5 = arith.constant 0 : i32
    %dma_start3A_6 = tpu.memref_slice %arg2[%dma_start3A_4, %dma_start3A_5] : memref<512x768xf32, #tpu.memory_space<hbm>> -> memref<512x768xf32, #tpu.memory_space<hbm>>
    tpu.enqueue_indirect_dma source(%dma_start3A_6 : memref<512x768xf32, #tpu.memory_space<hbm>>) target(%arg6 : memref<32x768xf32, #tpu.memory_space<vmem>>) offsets(%dma_start3A_3 : memref<32xi32, #tpu.memory_space<vmem>>) semaphore(%arg10 : memref<!tpu.dma_semaphore, #tpu.memory_space<semaphore_mem>>)
    %dma_start3A_7 = arith.constant 32 : i32
    %dma_start3A_8 = tpu.memref_slice %arg5[%dma_start3A_7] : memref<128xi32, #tpu.memory_space<vmem>> -> memref<32xi32, #tpu.memory_space<vmem>>
    %dma_start3A_9 = arith.constant 0 : i32
    %dma_start3A_10 = arith.constant 0 : i32
    %dma_start3A_11 = tpu.memref_slice %arg2[%dma_start3A_9, %dma_start3A_10] : memref<512x768xf32, #tpu.memory_space<hbm>> -> memref<512x768xf32, #tpu.memory_space<hbm>>
    tpu.enqueue_indirect_dma source(%dma_start3A_11 : memref<512x768xf32, #tpu.memory_space<hbm>>) target(%arg7 : memref<32x768xf32, #tpu.memory_space<vmem>>) offsets(%dma_start3A_8 : memref<32xi32, #tpu.memory_space<vmem>>) semaphore(%arg10 : memref<!tpu.dma_semaphore, #tpu.memory_space<semaphore_mem>>)
    %dma_start3A_12 = arith.constant 64 : i32
    %dma_start3A_13 = tpu.memref_slice %arg5[%dma_start3A_12] : memref<128xi32, #tpu.memory_space<vmem>> -> memref<32xi32, #tpu.memory_space<vmem>>
    %dma_start3A_14 = arith.constant 0 : i32
    %dma_start3A_15 = arith.constant 0 : i32
    %dma_start3A_16 = tpu.memref_slice %arg2[%dma_start3A_14, %dma_start3A_15] : memref<512x768xf32, #tpu.memory_space<hbm>> -> memref<512x768xf32, #tpu.memory_space<hbm>>
    tpu.enqueue_indirect_dma source(%dma_start3A_16 : memref<512x768xf32, #tpu.memory_space<hbm>>) target(%arg8 : memref<32x768xf32, #tpu.memory_space<vmem>>) offsets(%dma_start3A_13 : memref<32xi32, #tpu.memory_space<vmem>>) semaphore(%arg10 : memref<!tpu.dma_semaphore, #tpu.memory_space<semaphore_mem>>)
    %dma_start3A_17 = arith.constant 96 : i32
    %dma_start3A_18 = tpu.memref_slice %arg5[%dma_start3A_17] : memref<128xi32, #tpu.memory_space<vmem>> -> memref<32xi32, #tpu.memory_space<vmem>>
    %dma_start3A_19 = arith.constant 0 : i32
    %dma_start3A_20 = arith.constant 0 : i32
    %dma_start3A_21 = tpu.memref_slice %arg2[%dma_start3A_19, %dma_start3A_20] : memref<512x768xf32, #tpu.memory_space<hbm>> -> memref<512x768xf32, #tpu.memory_space<hbm>>
    tpu.enqueue_indirect_dma source(%dma_start3A_21 : memref<512x768xf32, #tpu.memory_space<hbm>>) target(%arg9 : memref<32x768xf32, #tpu.memory_space<vmem>>) offsets(%dma_start3A_18 : memref<32xi32, #tpu.memory_space<vmem>>) semaphore(%arg10 : memref<!tpu.dma_semaphore, #tpu.memory_space<semaphore_mem>>)
    %dma_wait3A = arith.constant 0 : i32
    %dma_wait3A_22 = tpu.memref_slice %arg5[%dma_wait3A] : memref<128xi32, #tpu.memory_space<vmem>> -> memref<32xi32, #tpu.memory_space<vmem>>
    %dma_wait3A_23 = arith.constant 0 : i32
    %dma_wait3A_24 = arith.constant 0 : i32
    %dma_wait3A_25 = tpu.memref_slice %arg2[%dma_wait3A_23, %dma_wait3A_24] : memref<512x768xf32, #tpu.memory_space<hbm>> -> memref<512x768xf32, #tpu.memory_space<hbm>>
    tpu.wait_indirect_dma semaphore(%arg10 : memref<!tpu.dma_semaphore, #tpu.memory_space<semaphore_mem>>) src(%dma_wait3A_25 : memref<512x768xf32, #tpu.memory_space<hbm>>) dst(%arg6 : memref<32x768xf32, #tpu.memory_space<vmem>>)
    %add3A_26 = arith.constant 0 : i32
    %add3A_27 = arith.addi %mul3A_2, %add3A_26 : i32
    %dma_start3A_28 = arith.constant 0 : i32
    %dma_start3A_29 = tpu.memref_slice %arg4[%add3A_27, %dma_start3A_28] : memref<4096x768xf32, #tpu.memory_space<hbm>> -> memref<32x768xf32, #tpu.memory_space<hbm>>
    %dma_start3A_30 = arith.constant 0 : i32
    %dma_start3A_31 = tpu.memref_slice %arg4[%add3A_27, %dma_start3A_30] : memref<4096x768xf32, #tpu.memory_space<hbm>> -> memref<32x768xf32, #tpu.memory_space<hbm>>
    tpu.enqueue_dma source(%arg6 : memref<32x768xf32, #tpu.memory_space<vmem>>) target(%dma_start3A_31 : memref<32x768xf32, #tpu.memory_space<hbm>>) target_semaphore(%arg11 : memref<!tpu.dma_semaphore, #tpu.memory_space<semaphore_mem>>)
    %dma_wait3A_32 = arith.constant 32 : i32
    %dma_wait3A_33 = tpu.memref_slice %arg5[%dma_wait3A_32] : memref<128xi32, #tpu.memory_space<vmem>> -> memref<32xi32, #tpu.memory_space<vmem>>
    %dma_wait3A_34 = arith.constant 0 : i32
    %dma_wait3A_35 = arith.constant 0 : i32
    %dma_wait3A_36 = tpu.memref_slice %arg2[%dma_wait3A_34, %dma_wait3A_35] : memref<512x768xf32, #tpu.memory_space<hbm>> -> memref<512x768xf32, #tpu.memory_space<hbm>>
    tpu.wait_indirect_dma semaphore(%arg10 : memref<!tpu.dma_semaphore, #tpu.memory_space<semaphore_mem>>) src(%dma_wait3A_36 : memref<512x768xf32, #tpu.memory_space<hbm>>) dst(%arg7 : memref<32x768xf32, #tpu.memory_space<vmem>>)
    %add3A_37 = arith.constant 32 : i32
    %add3A_38 = arith.addi %mul3A_2, %add3A_37 : i32
    %dma_start3A_39 = arith.constant 0 : i32
    %dma_start3A_40 = tpu.memref_slice %arg4[%add3A_38, %dma_start3A_39] : memref<4096x768xf32, #tpu.memory_space<hbm>> -> memref<32x768xf32, #tpu.memory_space<hbm>>
    %dma_start3A_41 = arith.constant 0 : i32
    %dma_start3A_42 = tpu.memref_slice %arg4[%add3A_38, %dma_start3A_41] : memref<4096x768xf32, #tpu.memory_space<hbm>> -> memref<32x768xf32, #tpu.memory_space<hbm>>
    tpu.enqueue_dma source(%arg7 : memref<32x768xf32, #tpu.memory_space<vmem>>) target(%dma_start3A_42 : memref<32x768xf32, #tpu.memory_space<hbm>>) target_semaphore(%arg11 : memref<!tpu.dma_semaphore, #tpu.memory_space<semaphore_mem>>)
    %dma_wait3A_43 = arith.constant 64 : i32
    %dma_wait3A_44 = tpu.memref_slice %arg5[%dma_wait3A_43] : memref<128xi32, #tpu.memory_space<vmem>> -> memref<32xi32, #tpu.memory_space<vmem>>
    %dma_wait3A_45 = arith.constant 0 : i32
    %dma_wait3A_46 = arith.constant 0 : i32
    %dma_wait3A_47 = tpu.memref_slice %arg2[%dma_wait3A_45, %dma_wait3A_46] : memref<512x768xf32, #tpu.memory_space<hbm>> -> memref<512x768xf32, #tpu.memory_space<hbm>>
    tpu.wait_indirect_dma semaphore(%arg10 : memref<!tpu.dma_semaphore, #tpu.memory_space<semaphore_mem>>) src(%dma_wait3A_47 : memref<512x768xf32, #tpu.memory_space<hbm>>) dst(%arg8 : memref<32x768xf32, #tpu.memory_space<vmem>>)
    %add3A_48 = arith.constant 64 : i32
    %add3A_49 = arith.addi %mul3A_2, %add3A_48 : i32
    %dma_start3A_50 = arith.constant 0 : i32
    %dma_start3A_51 = tpu.memref_slice %arg4[%add3A_49, %dma_start3A_50] : memref<4096x768xf32, #tpu.memory_space<hbm>> -> memref<32x768xf32, #tpu.memory_space<hbm>>
    %dma_start3A_52 = arith.constant 0 : i32
    %dma_start3A_53 = tpu.memref_slice %arg4[%add3A_49, %dma_start3A_52] : memref<4096x768xf32, #tpu.memory_space<hbm>> -> memref<32x768xf32, #tpu.memory_space<hbm>>
    tpu.enqueue_dma source(%arg8 : memref<32x768xf32, #tpu.memory_space<vmem>>) target(%dma_start3A_53 : memref<32x768xf32, #tpu.memory_space<hbm>>) target_semaphore(%arg11 : memref<!tpu.dma_semaphore, #tpu.memory_space<semaphore_mem>>)
    %dma_wait3A_54 = arith.constant 96 : i32
    %dma_wait3A_55 = tpu.memref_slice %arg5[%dma_wait3A_54] : memref<128xi32, #tpu.memory_space<vmem>> -> memref<32xi32, #tpu.memory_space<vmem>>
    %dma_wait3A_56 = arith.constant 0 : i32
    %dma_wait3A_57 = arith.constant 0 : i32
    %dma_wait3A_58 = tpu.memref_slice %arg2[%dma_wait3A_56, %dma_wait3A_57] : memref<512x768xf32, #tpu.memory_space<hbm>> -> memref<512x768xf32, #tpu.memory_space<hbm>>
    tpu.wait_indirect_dma semaphore(%arg10 : memref<!tpu.dma_semaphore, #tpu.memory_space<semaphore_mem>>) src(%dma_wait3A_58 : memref<512x768xf32, #tpu.memory_space<hbm>>) dst(%arg9 : memref<32x768xf32, #tpu.memory_space<vmem>>)
    %add3A_59 = arith.constant 96 : i32
    %add3A_60 = arith.addi %mul3A_2, %add3A_59 : i32
    %dma_start3A_61 = arith.constant 0 : i32
    %dma_start3A_62 = tpu.memref_slice %arg4[%add3A_60, %dma_start3A_61] : memref<4096x768xf32, #tpu.memory_space<hbm>> -> memref<32x768xf32, #tpu.memory_space<hbm>>
    %dma_start3A_63 = arith.constant 0 : i32
    %dma_start3A_64 = tpu.memref_slice %arg4[%add3A_60, %dma_start3A_63] : memref<4096x768xf32, #tpu.memory_space<hbm>> -> memref<32x768xf32, #tpu.memory_space<hbm>>
    tpu.enqueue_dma source(%arg9 : memref<32x768xf32, #tpu.memory_space<vmem>>) target(%dma_start3A_64 : memref<32x768xf32, #tpu.memory_space<hbm>>) target_semaphore(%arg11 : memref<!tpu.dma_semaphore, #tpu.memory_space<semaphore_mem>>)
    %dma_wait3A_65 = arith.constant 0 : i32
    %dma_wait3A_66 = tpu.memref_slice %arg4[%add3A_27, %dma_wait3A_65] : memref<4096x768xf32, #tpu.memory_space<hbm>> -> memref<32x768xf32, #tpu.memory_space<hbm>>
    %dma_wait3A_67 = arith.constant 0 : i32
    %dma_wait3A_68 = tpu.memref_slice %arg4[%add3A_27, %dma_wait3A_67] : memref<4096x768xf32, #tpu.memory_space<hbm>> -> memref<32x768xf32, #tpu.memory_space<hbm>>
    tpu.wait_dma2 semaphore(%arg11 : memref<!tpu.dma_semaphore, #tpu.memory_space<semaphore_mem>>) src(%arg6 : memref<32x768xf32, #tpu.memory_space<vmem>>) dst(%dma_wait3A_68 : memref<32x768xf32, #tpu.memory_space<hbm>>)
    %dma_wait3A_69 = arith.constant 0 : i32
    %dma_wait3A_70 = tpu.memref_slice %arg4[%add3A_38, %dma_wait3A_69] : memref<4096x768xf32, #tpu.memory_space<hbm>> -> memref<32x768xf32, #tpu.memory_space<hbm>>
    %dma_wait3A_71 = arith.constant 0 : i32
    %dma_wait3A_72 = tpu.memref_slice %arg4[%add3A_38, %dma_wait3A_71] : memref<4096x768xf32, #tpu.memory_space<hbm>> -> memref<32x768xf32, #tpu.memory_space<hbm>>
    tpu.wait_dma2 semaphore(%arg11 : memref<!tpu.dma_semaphore, #tpu.memory_space<semaphore_mem>>) src(%arg7 : memref<32x768xf32, #tpu.memory_space<vmem>>) dst(%dma_wait3A_72 : memref<32x768xf32, #tpu.memory_space<hbm>>)
    %dma_wait3A_73 = arith.constant 0 : i32
    %dma_wait3A_74 = tpu.memref_slice %arg4[%add3A_49, %dma_wait3A_73] : memref<4096x768xf32, #tpu.memory_space<hbm>> -> memref<32x768xf32, #tpu.memory_space<hbm>>
    %dma_wait3A_75 = arith.constant 0 : i32
    %dma_wait3A_76 = tpu.memref_slice %arg4[%add3A_49, %dma_wait3A_75] : memref<4096x768xf32, #tpu.memory_space<hbm>> -> memref<32x768xf32, #tpu.memory_space<hbm>>
    tpu.wait_dma2 semaphore(%arg11 : memref<!tpu.dma_semaphore, #tpu.memory_space<semaphore_mem>>) src(%arg8 : memref<32x768xf32, #tpu.memory_space<vmem>>) dst(%dma_wait3A_76 : memref<32x768xf32, #tpu.memory_space<hbm>>)
    %dma_wait3A_77 = arith.constant 0 : i32
    %dma_wait3A_78 = tpu.memref_slice %arg4[%add3A_60, %dma_wait3A_77] : memref<4096x768xf32, #tpu.memory_space<hbm>> -> memref<32x768xf32, #tpu.memory_space<hbm>>
    %dma_wait3A_79 = arith.constant 0 : i32
    %dma_wait3A_80 = tpu.memref_slice %arg4[%add3A_60, %dma_wait3A_79] : memref<4096x768xf32, #tpu.memory_space<hbm>> -> memref<32x768xf32, #tpu.memory_space<hbm>>
    tpu.wait_dma2 semaphore(%arg11 : memref<!tpu.dma_semaphore, #tpu.memory_space<semaphore_mem>>) src(%arg9 : memref<32x768xf32, #tpu.memory_space<vmem>>) dst(%dma_wait3A_80 : memref<32x768xf32, #tpu.memory_space<hbm>>)
    return
  }
}

module attributes {stable_mosaic.version = 14 : i64} {
  func.func @_dense_body(%arg0: memref<128x768xf32, #tpu.memory_space<vmem>>, %arg1: memref<512x768xf32, #tpu.memory_space<vmem>>, %arg2: memref<512x16xf32, #tpu.memory_space<vmem>>, %arg3: memref<128x32xi32, #tpu.memory_space<vmem>>, %arg4: memref<1x1xf32, #tpu.memory_space<vmem>>, %arg5: memref<512x128xf32, #tpu.memory_space<vmem>>, %arg6: memref<768x128xf32, #tpu.memory_space<vmem>>, %arg7: memref<32x128xi32, #tpu.memory_space<vmem>>) attributes {dimension_semantics = [], scalar_prefetch = 0 : i64, scratch_operands = 3 : i64, tpu.core_type = #tpu.core_type<tc>} {
    %get3A = arith.constant 0 : index
    %get3A_0 = arith.constant 0 : index
    %get3A_1 = vector.load %arg0[%get3A, %get3A_0] : memref<128x768xf32, #tpu.memory_space<vmem>>, vector<128x768xf32>
    %transpose3A = tpu.transpose %get3A_1, [1, 0] : vector<128x768xf32> -> vector<768x128xf32>
    %swap3A = arith.constant 0 : index
    %swap3A_2 = arith.constant 0 : index
    %swap3A_3 = vector.load %arg6[%swap3A, %swap3A_2] : memref<768x128xf32, #tpu.memory_space<vmem>>, vector<768x128xf32>
    tpu.vector_store %arg6[%swap3A, %swap3A_2], %transpose3A {strides = array<i32>} : memref<768x128xf32, #tpu.memory_space<vmem>>, vector<768x128xf32>,
    %get3A_4 = arith.constant 0 : index
    %get3A_5 = arith.constant 0 : index
    %get3A_6 = vector.load %arg6[%get3A_4, %get3A_5] : memref<768x128xf32, #tpu.memory_space<vmem>>, vector<768x128xf32>
    %mul3A = arith.mulf %get3A_6, %get3A_6 : vector<768x128xf32>
    %reduce_sum3A = arith.constant dense<0.000000e+00> : vector<128xf32>
    %reduce_sum3A_7 = vector.multi_reduction <add>, %mul3A, %reduce_sum3A [0] : vector<768x128xf32> to vector<128xf32>
    %broadcast_in_dim3A = vector.shape_cast %reduce_sum3A_7 : vector<128xf32> to vector<1x128xf32>
    %iota3A = tpu.iota {dimensions = array<i32: 1>} : vector<16x128xi32>
    %jit3A = arith.constant 8 : i32
    %div3A = vector.broadcast %jit3A : i32 to vector<16x128xi32>
    %div3A_8 = arith.divsi %iota3A, %div3A : vector<16x128xi32>
    %sign3A = arith.constant 0 : i32
    %sign3A_9 = vector.broadcast %sign3A : i32 to vector<16x128xi32>
    %sign3A_10 = arith.cmpi sgt, %iota3A, %sign3A_9 : vector<16x128xi32>
    %sign3A_11 = arith.extui %sign3A_10 : vector<16x128xi1> to vector<16x128xi32>
    %sign3A_12 = arith.constant 0 : i32
    %sign3A_13 = vector.broadcast %sign3A_12 : i32 to vector<16x128xi32>
    %sign3A_14 = arith.cmpi slt, %iota3A, %sign3A_13 : vector<16x128xi32>
    %sign3A_15 = arith.extui %sign3A_14 : vector<16x128xi1> to vector<16x128xi32>
    %sign3A_16 = arith.subi %sign3A_11, %sign3A_15 : vector<16x128xi32>
    %sign3A_17 = arith.constant 0 : i32
    %sign3A_18 = arith.cmpi sgt, %jit3A, %sign3A_17 : i32
    %sign3A_19 = arith.extui %sign3A_18 : i1 to i32
    %sign3A_20 = arith.constant 0 : i32
    %sign3A_21 = arith.cmpi slt, %jit3A, %sign3A_20 : i32
    %sign3A_22 = arith.extui %sign3A_21 : i1 to i32
    %sign3A_23 = arith.subi %sign3A_19, %sign3A_22 : i32
    %ne3A = vector.broadcast %sign3A_23 : i32 to vector<16x128xi32>
    %ne3A_24 = arith.cmpi ne, %sign3A_16, %ne3A : vector<16x128xi32>
    %rem3A = vector.broadcast %jit3A : i32 to vector<16x128xi32>
    %rem3A_25 = arith.remsi %iota3A, %rem3A : vector<16x128xi32>
    %ne3A_26 = arith.constant 0 : i32
    %ne3A_27 = vector.broadcast %ne3A_26 : i32 to vector<16x128xi32>
    %ne3A_28 = arith.cmpi ne, %rem3A_25, %ne3A_27 : vector<16x128xi32>
    %and3A = arith.andi %ne3A_24, %ne3A_28 : vector<16x128xi1>
    %sub3A = arith.constant 1 : i32
    %sub3A_29 = vector.broadcast %sub3A : i32 to vector<16x128xi32>
    %sub3A_30 = arith.subi %div3A_8, %sub3A_29 : vector<16x128xi32>
    %select_n3A = arith.select %and3A, %sub3A_30, %div3A_8 : vector<16x128xi1>, vector<16x128xi32>
    %iota3A_31 = tpu.iota {dimensions = array<i32: 0>} : vector<16x128xi32>
    %eq3A = arith.cmpi eq, %select_n3A, %iota3A_31 : vector<16x128xi32>
    %convert_element_type3A = arith.extui %eq3A : vector<16x128xi1> to vector<16x128xi32>
    %convert_element_type3A_32 = arith.sitofp %convert_element_type3A : vector<16x128xi32> to vector<16x128xf32>
    %get3A_33 = arith.constant 0 : index
    %get3A_34 = arith.constant 0 : index
    %get3A_35 = vector.load %arg1[%get3A_33, %get3A_34] : memref<512x768xf32, #tpu.memory_space<vmem>>, vector<64x768xf32>
    %dot_general3A = arith.constant dense<0.000000e+00> : vector<64x128xf32>
    %dot_general3A_36 = tpu.matmul %get3A_35, %get3A_6, %dot_general3A {dimension_numbers = #tpu.dot_dimension_numbers<[1], [0], [0], [1], [0, 0, 1, 1], [], []>, precision = #tpu.contract_precision<fp32>, transpose_lhs_hint = false} : vector<64x768xf32>, vector<768x128xf32>, vector<64x128xf32> -> vector<64x128xf32>
    %mul3A_37 = arith.mulf %get3A_35, %get3A_35 : vector<64x768xf32>
    %reduce_sum3A_38 = arith.constant dense<0.000000e+00> : vector<64xf32>
    %reduce_sum3A_39 = vector.multi_reduction <add>, %mul3A_37, %reduce_sum3A_38 [1] : vector<64x768xf32> to vector<64xf32>
    %broadcast_in_dim3A_40 = vector.shape_cast %reduce_sum3A_39 : vector<64xf32> to vector<64x1xf32>
    %mul3A_41 = arith.constant 2.000000e+00 : f32
    %mul3A_42 = vector.broadcast %mul3A_41 : f32 to vector<64x128xf32>
    %mul3A_43 = arith.mulf %mul3A_42, %dot_general3A_36 : vector<64x128xf32>
    %sub3A_44 = vector.broadcast %broadcast_in_dim3A : vector<1x128xf32> to vector<64x128xf32>
    %sub3A_45 = arith.subf %mul3A_43, %sub3A_44 : vector<64x128xf32>
    %sub3A_46 = vector.broadcast %broadcast_in_dim3A_40 : vector<64x1xf32> to vector<64x128xf32>
    %sub3A_47 = arith.subf %sub3A_45, %sub3A_46 : vector<64x128xf32>
    %reduce_max3A = arith.constant dense<0xFF800000> : vector<64xf32>
    %reduce_max3A_48 = vector.multi_reduction <maximumf>, %sub3A_47, %reduce_max3A [1] : vector<64x128xf32> to vector<64xf32>
    %broadcast_in_dim3A_49 = vector.shape_cast %reduce_max3A_48 : vector<64xf32> to vector<64x1xf32>
    %sub3A_50 = vector.broadcast %broadcast_in_dim3A_49 : vector<64x1xf32> to vector<64x128xf32>
    %sub3A_51 = arith.subf %sub3A_47, %sub3A_50 : vector<64x128xf32>
    %exp3A = math.exp %sub3A_51 : vector<64x128xf32>
    %reduce_sum3A_52 = arith.constant dense<0.000000e+00> : vector<64xf32>
    %reduce_sum3A_53 = vector.multi_reduction <add>, %exp3A, %reduce_sum3A_52 [1] : vector<64x128xf32> to vector<64xf32>
    %broadcast_in_dim3A_54 = vector.shape_cast %reduce_sum3A_53 : vector<64xf32> to vector<64x1xf32>
    %div3A_55 = vector.broadcast %broadcast_in_dim3A_54 : vector<64x1xf32> to vector<64x128xf32>
    %div3A_56 = arith.divf %exp3A, %div3A_55 : vector<64x128xf32>
    %add3A = arith.constant 1.000000e-03 : f32
    %add3A_57 = vector.broadcast %add3A : f32 to vector<64x128xf32>
    %add3A_58 = arith.addf %div3A_56, %add3A_57 : vector<64x128xf32>
    %log3A = math.log %add3A_58 : vector<64x128xf32>
    %mul3A_59 = arith.mulf %div3A_56, %log3A : vector<64x128xf32>
    %reduce_sum3A_60 = arith.constant dense<0.000000e+00> : vector<64xf32>
    %reduce_sum3A_61 = vector.multi_reduction <add>, %mul3A_59, %reduce_sum3A_60 [1] : vector<64x128xf32> to vector<64xf32>
    %broadcast_in_dim3A_62 = vector.shape_cast %reduce_sum3A_61 : vector<64xf32> to vector<64x1xf32>
    %neg3A = arith.constant 0.000000e+00 : f32
    %neg3A_63 = vector.broadcast %neg3A : f32 to vector<64x1xf32>
    %neg3A_64 = arith.subf %neg3A_63, %broadcast_in_dim3A_62 : vector<64x1xf32>
    %max3A = arith.constant 0.000000e+00 : f32
    %max3A_65 = vector.broadcast %max3A : f32 to vector<64x1xf32>
    %max3A_66 = arith.maximumf %neg3A_64, %max3A_65 : vector<64x1xf32>
    %get3A_67 = arith.constant 0 : index
    %get3A_68 = arith.constant 0 : index
    %get3A_69 = vector.load %arg2[%get3A_67, %get3A_68] : memref<512x16xf32, #tpu.memory_space<vmem>>, vector<64x16xf32>
    %reduce_max3A_70 = arith.constant dense<0xFF800000> : vector<64xf32>
    %reduce_max3A_71 = vector.multi_reduction <maximumf>, %get3A_69, %reduce_max3A_70 [1] : vector<64x16xf32> to vector<64xf32>
    %broadcast_in_dim3A_72 = vector.shape_cast %reduce_max3A_71 : vector<64xf32> to vector<64x1xf32>
    %sub3A_73 = vector.broadcast %broadcast_in_dim3A_72 : vector<64x1xf32> to vector<64x16xf32>
    %sub3A_74 = arith.subf %get3A_69, %sub3A_73 : vector<64x16xf32>
    %exp3A_75 = math.exp %sub3A_74 : vector<64x16xf32>
    %reduce_sum3A_76 = arith.constant dense<0.000000e+00> : vector<64xf32>
    %reduce_sum3A_77 = vector.multi_reduction <add>, %exp3A_75, %reduce_sum3A_76 [1] : vector<64x16xf32> to vector<64xf32>
    %broadcast_in_dim3A_78 = vector.shape_cast %reduce_sum3A_77 : vector<64xf32> to vector<64x1xf32>
    %div3A_79 = vector.broadcast %broadcast_in_dim3A_78 : vector<64x1xf32> to vector<64x16xf32>
    %div3A_80 = arith.divf %exp3A_75, %div3A_79 : vector<64x16xf32>
    %dot_general3A_81 = arith.constant dense<0.000000e+00> : vector<64x128xf32>
    %dot_general3A_82 = tpu.matmul %div3A_80, %convert_element_type3A_32, %dot_general3A_81 {dimension_numbers = #tpu.dot_dimension_numbers<[1], [0], [0], [1], [0, 0, 1, 1], [], []>, precision = #tpu.contract_precision<fp32>, transpose_lhs_hint = false} : vector<64x16xf32>, vector<16x128xf32>, vector<64x128xf32> -> vector<64x128xf32>
    %add3A_83 = arith.constant 1.000000e-03 : f32
    %add3A_84 = vector.broadcast %add3A_83 : f32 to vector<64x128xf32>
    %add3A_85 = arith.addf %dot_general3A_82, %add3A_84 : vector<64x128xf32>
    %log3A_86 = math.log %add3A_85 : vector<64x128xf32>
    %mul3A_87 = arith.mulf %dot_general3A_82, %log3A_86 : vector<64x128xf32>
    %reduce_sum3A_88 = arith.constant dense<0.000000e+00> : vector<64xf32>
    %reduce_sum3A_89 = vector.multi_reduction <add>, %mul3A_87, %reduce_sum3A_88 [1] : vector<64x128xf32> to vector<64xf32>
    %broadcast_in_dim3A_90 = vector.shape_cast %reduce_sum3A_89 : vector<64xf32> to vector<64x1xf32>
    %neg3A_91 = arith.constant 0.000000e+00 : f32
    %neg3A_92 = vector.broadcast %neg3A_91 : f32 to vector<64x1xf32>
    %neg3A_93 = arith.subf %neg3A_92, %broadcast_in_dim3A_90 : vector<64x1xf32>
    %max3A_94 = arith.constant 0.000000e+00 : f32
    %max3A_95 = vector.broadcast %max3A_94 : f32 to vector<64x1xf32>
    %max3A_96 = arith.maximumf %neg3A_93, %max3A_95 : vector<64x1xf32>
    %add3A_97 = arith.constant 1.000000e+00 : f32
    %add3A_98 = vector.broadcast %add3A_97 : f32 to vector<64x1xf32>
    %add3A_99 = arith.addf %add3A_98, %max3A_96 : vector<64x1xf32>
    %div3A_100 = vector.broadcast %add3A_99 : vector<64x1xf32> to vector<64x128xf32>
    %div3A_101 = arith.divf %dot_general3A_82, %div3A_100 : vector<64x128xf32>
    %add3A_102 = arith.constant 1.000000e+00 : f32
    %add3A_103 = vector.broadcast %add3A_102 : f32 to vector<64x1xf32>
    %add3A_104 = arith.addf %add3A_103, %max3A_66 : vector<64x1xf32>
    %div3A_105 = vector.broadcast %add3A_104 : vector<64x1xf32> to vector<64x128xf32>
    %div3A_106 = arith.divf %div3A_56, %div3A_105 : vector<64x128xf32>
    %add3A_107 = arith.addf %div3A_101, %div3A_106 : vector<64x128xf32>
    %swap3A_108 = arith.constant 0 : index
    %swap3A_109 = arith.constant 0 : index
    %swap3A_110 = vector.load %arg5[%swap3A_108, %swap3A_109] : memref<512x128xf32, #tpu.memory_space<vmem>>, vector<64x128xf32>
    tpu.vector_store %arg5[%swap3A_108, %swap3A_109], %add3A_107 {strides = array<i32>} : memref<512x128xf32, #tpu.memory_space<vmem>>, vector<64x128xf32>,
    %get3A_111 = arith.constant 64 : index
    %get3A_112 = arith.constant 0 : index
    %get3A_113 = vector.load %arg1[%get3A_111, %get3A_112] : memref<512x768xf32, #tpu.memory_space<vmem>>, vector<64x768xf32>
    %dot_general3A_114 = arith.constant dense<0.000000e+00> : vector<64x128xf32>
    %dot_general3A_115 = tpu.matmul %get3A_113, %get3A_6, %dot_general3A_114 {dimension_numbers = #tpu.dot_dimension_numbers<[1], [0], [0], [1], [0, 0, 1, 1], [], []>, precision = #tpu.contract_precision<fp32>, transpose_lhs_hint = false} : vector<64x768xf32>, vector<768x128xf32>, vector<64x128xf32> -> vector<64x128xf32>
    %mul3A_116 = arith.mulf %get3A_113, %get3A_113 : vector<64x768xf32>
    %reduce_sum3A_117 = arith.constant dense<0.000000e+00> : vector<64xf32>
    %reduce_sum3A_118 = vector.multi_reduction <add>, %mul3A_116, %reduce_sum3A_117 [1] : vector<64x768xf32> to vector<64xf32>
    %broadcast_in_dim3A_119 = vector.shape_cast %reduce_sum3A_118 : vector<64xf32> to vector<64x1xf32>
    %mul3A_120 = arith.constant 2.000000e+00 : f32
    %mul3A_121 = vector.broadcast %mul3A_120 : f32 to vector<64x128xf32>
    %mul3A_122 = arith.mulf %mul3A_121, %dot_general3A_115 : vector<64x128xf32>
    %sub3A_123 = vector.broadcast %broadcast_in_dim3A : vector<1x128xf32> to vector<64x128xf32>
    %sub3A_124 = arith.subf %mul3A_122, %sub3A_123 : vector<64x128xf32>
    %sub3A_125 = vector.broadcast %broadcast_in_dim3A_119 : vector<64x1xf32> to vector<64x128xf32>
    %sub3A_126 = arith.subf %sub3A_124, %sub3A_125 : vector<64x128xf32>
    %reduce_max3A_127 = arith.constant dense<0xFF800000> : vector<64xf32>
    %reduce_max3A_128 = vector.multi_reduction <maximumf>, %sub3A_126, %reduce_max3A_127 [1] : vector<64x128xf32> to vector<64xf32>
    %broadcast_in_dim3A_129 = vector.shape_cast %reduce_max3A_128 : vector<64xf32> to vector<64x1xf32>
    %sub3A_130 = vector.broadcast %broadcast_in_dim3A_129 : vector<64x1xf32> to vector<64x128xf32>
    %sub3A_131 = arith.subf %sub3A_126, %sub3A_130 : vector<64x128xf32>
    %exp3A_132 = math.exp %sub3A_131 : vector<64x128xf32>
    %reduce_sum3A_133 = arith.constant dense<0.000000e+00> : vector<64xf32>
    %reduce_sum3A_134 = vector.multi_reduction <add>, %exp3A_132, %reduce_sum3A_133 [1] : vector<64x128xf32> to vector<64xf32>
    %broadcast_in_dim3A_135 = vector.shape_cast %reduce_sum3A_134 : vector<64xf32> to vector<64x1xf32>
    %div3A_136 = vector.broadcast %broadcast_in_dim3A_135 : vector<64x1xf32> to vector<64x128xf32>
    %div3A_137 = arith.divf %exp3A_132, %div3A_136 : vector<64x128xf32>
    %add3A_138 = arith.constant 1.000000e-03 : f32
    %add3A_139 = vector.broadcast %add3A_138 : f32 to vector<64x128xf32>
    %add3A_140 = arith.addf %div3A_137, %add3A_139 : vector<64x128xf32>
    %log3A_141 = math.log %add3A_140 : vector<64x128xf32>
    %mul3A_142 = arith.mulf %div3A_137, %log3A_141 : vector<64x128xf32>
    %reduce_sum3A_143 = arith.constant dense<0.000000e+00> : vector<64xf32>
    %reduce_sum3A_144 = vector.multi_reduction <add>, %mul3A_142, %reduce_sum3A_143 [1] : vector<64x128xf32> to vector<64xf32>
    %broadcast_in_dim3A_145 = vector.shape_cast %reduce_sum3A_144 : vector<64xf32> to vector<64x1xf32>
    %neg3A_146 = arith.constant 0.000000e+00 : f32
    %neg3A_147 = vector.broadcast %neg3A_146 : f32 to vector<64x1xf32>
    %neg3A_148 = arith.subf %neg3A_147, %broadcast_in_dim3A_145 : vector<64x1xf32>
    %max3A_149 = arith.constant 0.000000e+00 : f32
    %max3A_150 = vector.broadcast %max3A_149 : f32 to vector<64x1xf32>
    %max3A_151 = arith.maximumf %neg3A_148, %max3A_150 : vector<64x1xf32>
    %get3A_152 = arith.constant 64 : index
    %get3A_153 = arith.constant 0 : index
    %get3A_154 = vector.load %arg2[%get3A_152, %get3A_153] : memref<512x16xf32, #tpu.memory_space<vmem>>, vector<64x16xf32>
    %reduce_max3A_155 = arith.constant dense<0xFF800000> : vector<64xf32>
    %reduce_max3A_156 = vector.multi_reduction <maximumf>, %get3A_154, %reduce_max3A_155 [1] : vector<64x16xf32> to vector<64xf32>
    %broadcast_in_dim3A_157 = vector.shape_cast %reduce_max3A_156 : vector<64xf32> to vector<64x1xf32>
    %sub3A_158 = vector.broadcast %broadcast_in_dim3A_157 : vector<64x1xf32> to vector<64x16xf32>
    %sub3A_159 = arith.subf %get3A_154, %sub3A_158 : vector<64x16xf32>
    %exp3A_160 = math.exp %sub3A_159 : vector<64x16xf32>
    %reduce_sum3A_161 = arith.constant dense<0.000000e+00> : vector<64xf32>
    %reduce_sum3A_162 = vector.multi_reduction <add>, %exp3A_160, %reduce_sum3A_161 [1] : vector<64x16xf32> to vector<64xf32>
    %broadcast_in_dim3A_163 = vector.shape_cast %reduce_sum3A_162 : vector<64xf32> to vector<64x1xf32>
    %div3A_164 = vector.broadcast %broadcast_in_dim3A_163 : vector<64x1xf32> to vector<64x16xf32>
    %div3A_165 = arith.divf %exp3A_160, %div3A_164 : vector<64x16xf32>
    %dot_general3A_166 = arith.constant dense<0.000000e+00> : vector<64x128xf32>
    %dot_general3A_167 = tpu.matmul %div3A_165, %convert_element_type3A_32, %dot_general3A_166 {dimension_numbers = #tpu.dot_dimension_numbers<[1], [0], [0], [1], [0, 0, 1, 1], [], []>, precision = #tpu.contract_precision<fp32>, transpose_lhs_hint = false} : vector<64x16xf32>, vector<16x128xf32>, vector<64x128xf32> -> vector<64x128xf32>
    %add3A_168 = arith.constant 1.000000e-03 : f32
    %add3A_169 = vector.broadcast %add3A_168 : f32 to vector<64x128xf32>
    %add3A_170 = arith.addf %dot_general3A_167, %add3A_169 : vector<64x128xf32>
    %log3A_171 = math.log %add3A_170 : vector<64x128xf32>
    %mul3A_172 = arith.mulf %dot_general3A_167, %log3A_171 : vector<64x128xf32>
    %reduce_sum3A_173 = arith.constant dense<0.000000e+00> : vector<64xf32>
    %reduce_sum3A_174 = vector.multi_reduction <add>, %mul3A_172, %reduce_sum3A_173 [1] : vector<64x128xf32> to vector<64xf32>
    %broadcast_in_dim3A_175 = vector.shape_cast %reduce_sum3A_174 : vector<64xf32> to vector<64x1xf32>
    %neg3A_176 = arith.constant 0.000000e+00 : f32
    %neg3A_177 = vector.broadcast %neg3A_176 : f32 to vector<64x1xf32>
    %neg3A_178 = arith.subf %neg3A_177, %broadcast_in_dim3A_175 : vector<64x1xf32>
    %max3A_179 = arith.constant 0.000000e+00 : f32
    %max3A_180 = vector.broadcast %max3A_179 : f32 to vector<64x1xf32>
    %max3A_181 = arith.maximumf %neg3A_178, %max3A_180 : vector<64x1xf32>
    %add3A_182 = arith.constant 1.000000e+00 : f32
    %add3A_183 = vector.broadcast %add3A_182 : f32 to vector<64x1xf32>
    %add3A_184 = arith.addf %add3A_183, %max3A_181 : vector<64x1xf32>
    %div3A_185 = vector.broadcast %add3A_184 : vector<64x1xf32> to vector<64x128xf32>
    %div3A_186 = arith.divf %dot_general3A_167, %div3A_185 : vector<64x128xf32>
    %add3A_187 = arith.constant 1.000000e+00 : f32
    %add3A_188 = vector.broadcast %add3A_187 : f32 to vector<64x1xf32>
    %add3A_189 = arith.addf %add3A_188, %max3A_151 : vector<64x1xf32>
    %div3A_190 = vector.broadcast %add3A_189 : vector<64x1xf32> to vector<64x128xf32>
    %div3A_191 = arith.divf %div3A_137, %div3A_190 : vector<64x128xf32>
    %add3A_192 = arith.addf %div3A_186, %div3A_191 : vector<64x128xf32>
    %swap3A_193 = arith.constant 64 : index
    %swap3A_194 = arith.constant 0 : index
    %swap3A_195 = vector.load %arg5[%swap3A_193, %swap3A_194] : memref<512x128xf32, #tpu.memory_space<vmem>>, vector<64x128xf32>
    tpu.vector_store %arg5[%swap3A_193, %swap3A_194], %add3A_192 {strides = array<i32>} : memref<512x128xf32, #tpu.memory_space<vmem>>, vector<64x128xf32>,
    %get3A_196 = arith.constant 128 : index
    %get3A_197 = arith.constant 0 : index
    %get3A_198 = vector.load %arg1[%get3A_196, %get3A_197] : memref<512x768xf32, #tpu.memory_space<vmem>>, vector<64x768xf32>
    %dot_general3A_199 = arith.constant dense<0.000000e+00> : vector<64x128xf32>
    %dot_general3A_200 = tpu.matmul %get3A_198, %get3A_6, %dot_general3A_199 {dimension_numbers = #tpu.dot_dimension_numbers<[1], [0], [0], [1], [0, 0, 1, 1], [], []>, precision = #tpu.contract_precision<fp32>, transpose_lhs_hint = false} : vector<64x768xf32>, vector<768x128xf32>, vector<64x128xf32> -> vector<64x128xf32>
    %mul3A_201 = arith.mulf %get3A_198, %get3A_198 : vector<64x768xf32>
    %reduce_sum3A_202 = arith.constant dense<0.000000e+00> : vector<64xf32>
    %reduce_sum3A_203 = vector.multi_reduction <add>, %mul3A_201, %reduce_sum3A_202 [1] : vector<64x768xf32> to vector<64xf32>
    %broadcast_in_dim3A_204 = vector.shape_cast %reduce_sum3A_203 : vector<64xf32> to vector<64x1xf32>
    %mul3A_205 = arith.constant 2.000000e+00 : f32
    %mul3A_206 = vector.broadcast %mul3A_205 : f32 to vector<64x128xf32>
    %mul3A_207 = arith.mulf %mul3A_206, %dot_general3A_200 : vector<64x128xf32>
    %sub3A_208 = vector.broadcast %broadcast_in_dim3A : vector<1x128xf32> to vector<64x128xf32>
    %sub3A_209 = arith.subf %mul3A_207, %sub3A_208 : vector<64x128xf32>
    %sub3A_210 = vector.broadcast %broadcast_in_dim3A_204 : vector<64x1xf32> to vector<64x128xf32>
    %sub3A_211 = arith.subf %sub3A_209, %sub3A_210 : vector<64x128xf32>
    %reduce_max3A_212 = arith.constant dense<0xFF800000> : vector<64xf32>
    %reduce_max3A_213 = vector.multi_reduction <maximumf>, %sub3A_211, %reduce_max3A_212 [1] : vector<64x128xf32> to vector<64xf32>
    %broadcast_in_dim3A_214 = vector.shape_cast %reduce_max3A_213 : vector<64xf32> to vector<64x1xf32>
    %sub3A_215 = vector.broadcast %broadcast_in_dim3A_214 : vector<64x1xf32> to vector<64x128xf32>
    %sub3A_216 = arith.subf %sub3A_211, %sub3A_215 : vector<64x128xf32>
    %exp3A_217 = math.exp %sub3A_216 : vector<64x128xf32>
    %reduce_sum3A_218 = arith.constant dense<0.000000e+00> : vector<64xf32>
    %reduce_sum3A_219 = vector.multi_reduction <add>, %exp3A_217, %reduce_sum3A_218 [1] : vector<64x128xf32> to vector<64xf32>
    %broadcast_in_dim3A_220 = vector.shape_cast %reduce_sum3A_219 : vector<64xf32> to vector<64x1xf32>
    %div3A_221 = vector.broadcast %broadcast_in_dim3A_220 : vector<64x1xf32> to vector<64x128xf32>
    %div3A_222 = arith.divf %exp3A_217, %div3A_221 : vector<64x128xf32>
    %add3A_223 = arith.constant 1.000000e-03 : f32
    %add3A_224 = vector.broadcast %add3A_223 : f32 to vector<64x128xf32>
    %add3A_225 = arith.addf %div3A_222, %add3A_224 : vector<64x128xf32>
    %log3A_226 = math.log %add3A_225 : vector<64x128xf32>
    %mul3A_227 = arith.mulf %div3A_222, %log3A_226 : vector<64x128xf32>
    %reduce_sum3A_228 = arith.constant dense<0.000000e+00> : vector<64xf32>
    %reduce_sum3A_229 = vector.multi_reduction <add>, %mul3A_227, %reduce_sum3A_228 [1] : vector<64x128xf32> to vector<64xf32>
    %broadcast_in_dim3A_230 = vector.shape_cast %reduce_sum3A_229 : vector<64xf32> to vector<64x1xf32>
    %neg3A_231 = arith.constant 0.000000e+00 : f32
    %neg3A_232 = vector.broadcast %neg3A_231 : f32 to vector<64x1xf32>
    %neg3A_233 = arith.subf %neg3A_232, %broadcast_in_dim3A_230 : vector<64x1xf32>
    %max3A_234 = arith.constant 0.000000e+00 : f32
    %max3A_235 = vector.broadcast %max3A_234 : f32 to vector<64x1xf32>
    %max3A_236 = arith.maximumf %neg3A_233, %max3A_235 : vector<64x1xf32>
    %get3A_237 = arith.constant 128 : index
    %get3A_238 = arith.constant 0 : index
    %get3A_239 = vector.load %arg2[%get3A_237, %get3A_238] : memref<512x16xf32, #tpu.memory_space<vmem>>, vector<64x16xf32>
    %reduce_max3A_240 = arith.constant dense<0xFF800000> : vector<64xf32>
    %reduce_max3A_241 = vector.multi_reduction <maximumf>, %get3A_239, %reduce_max3A_240 [1] : vector<64x16xf32> to vector<64xf32>
    %broadcast_in_dim3A_242 = vector.shape_cast %reduce_max3A_241 : vector<64xf32> to vector<64x1xf32>
    %sub3A_243 = vector.broadcast %broadcast_in_dim3A_242 : vector<64x1xf32> to vector<64x16xf32>
    %sub3A_244 = arith.subf %get3A_239, %sub3A_243 : vector<64x16xf32>
    %exp3A_245 = math.exp %sub3A_244 : vector<64x16xf32>
    %reduce_sum3A_246 = arith.constant dense<0.000000e+00> : vector<64xf32>
    %reduce_sum3A_247 = vector.multi_reduction <add>, %exp3A_245, %reduce_sum3A_246 [1] : vector<64x16xf32> to vector<64xf32>
    %broadcast_in_dim3A_248 = vector.shape_cast %reduce_sum3A_247 : vector<64xf32> to vector<64x1xf32>
    %div3A_249 = vector.broadcast %broadcast_in_dim3A_248 : vector<64x1xf32> to vector<64x16xf32>
    %div3A_250 = arith.divf %exp3A_245, %div3A_249 : vector<64x16xf32>
    %dot_general3A_251 = arith.constant dense<0.000000e+00> : vector<64x128xf32>
    %dot_general3A_252 = tpu.matmul %div3A_250, %convert_element_type3A_32, %dot_general3A_251 {dimension_numbers = #tpu.dot_dimension_numbers<[1], [0], [0], [1], [0, 0, 1, 1], [], []>, precision = #tpu.contract_precision<fp32>, transpose_lhs_hint = false} : vector<64x16xf32>, vector<16x128xf32>, vector<64x128xf32> -> vector<64x128xf32>
    %add3A_253 = arith.constant 1.000000e-03 : f32
    %add3A_254 = vector.broadcast %add3A_253 : f32 to vector<64x128xf32>
    %add3A_255 = arith.addf %dot_general3A_252, %add3A_254 : vector<64x128xf32>
    %log3A_256 = math.log %add3A_255 : vector<64x128xf32>
    %mul3A_257 = arith.mulf %dot_general3A_252, %log3A_256 : vector<64x128xf32>
    %reduce_sum3A_258 = arith.constant dense<0.000000e+00> : vector<64xf32>
    %reduce_sum3A_259 = vector.multi_reduction <add>, %mul3A_257, %reduce_sum3A_258 [1] : vector<64x128xf32> to vector<64xf32>
    %broadcast_in_dim3A_260 = vector.shape_cast %reduce_sum3A_259 : vector<64xf32> to vector<64x1xf32>
    %neg3A_261 = arith.constant 0.000000e+00 : f32
    %neg3A_262 = vector.broadcast %neg3A_261 : f32 to vector<64x1xf32>
    %neg3A_263 = arith.subf %neg3A_262, %broadcast_in_dim3A_260 : vector<64x1xf32>
    %max3A_264 = arith.constant 0.000000e+00 : f32
    %max3A_265 = vector.broadcast %max3A_264 : f32 to vector<64x1xf32>
    %max3A_266 = arith.maximumf %neg3A_263, %max3A_265 : vector<64x1xf32>
    %add3A_267 = arith.constant 1.000000e+00 : f32
    %add3A_268 = vector.broadcast %add3A_267 : f32 to vector<64x1xf32>
    %add3A_269 = arith.addf %add3A_268, %max3A_266 : vector<64x1xf32>
    %div3A_270 = vector.broadcast %add3A_269 : vector<64x1xf32> to vector<64x128xf32>
    %div3A_271 = arith.divf %dot_general3A_252, %div3A_270 : vector<64x128xf32>
    %add3A_272 = arith.constant 1.000000e+00 : f32
    %add3A_273 = vector.broadcast %add3A_272 : f32 to vector<64x1xf32>
    %add3A_274 = arith.addf %add3A_273, %max3A_236 : vector<64x1xf32>
    %div3A_275 = vector.broadcast %add3A_274 : vector<64x1xf32> to vector<64x128xf32>
    %div3A_276 = arith.divf %div3A_222, %div3A_275 : vector<64x128xf32>
    %add3A_277 = arith.addf %div3A_271, %div3A_276 : vector<64x128xf32>
    %swap3A_278 = arith.constant 128 : index
    %swap3A_279 = arith.constant 0 : index
    %swap3A_280 = vector.load %arg5[%swap3A_278, %swap3A_279] : memref<512x128xf32, #tpu.memory_space<vmem>>, vector<64x128xf32>
    tpu.vector_store %arg5[%swap3A_278, %swap3A_279], %add3A_277 {strides = array<i32>} : memref<512x128xf32, #tpu.memory_space<vmem>>, vector<64x128xf32>,
    %get3A_281 = arith.constant 192 : index
    %get3A_282 = arith.constant 0 : index
    %get3A_283 = vector.load %arg1[%get3A_281, %get3A_282] : memref<512x768xf32, #tpu.memory_space<vmem>>, vector<64x768xf32>
    %dot_general3A_284 = arith.constant dense<0.000000e+00> : vector<64x128xf32>
    %dot_general3A_285 = tpu.matmul %get3A_283, %get3A_6, %dot_general3A_284 {dimension_numbers = #tpu.dot_dimension_numbers<[1], [0], [0], [1], [0, 0, 1, 1], [], []>, precision = #tpu.contract_precision<fp32>, transpose_lhs_hint = false} : vector<64x768xf32>, vector<768x128xf32>, vector<64x128xf32> -> vector<64x128xf32>
    %mul3A_286 = arith.mulf %get3A_283, %get3A_283 : vector<64x768xf32>
    %reduce_sum3A_287 = arith.constant dense<0.000000e+00> : vector<64xf32>
    %reduce_sum3A_288 = vector.multi_reduction <add>, %mul3A_286, %reduce_sum3A_287 [1] : vector<64x768xf32> to vector<64xf32>
    %broadcast_in_dim3A_289 = vector.shape_cast %reduce_sum3A_288 : vector<64xf32> to vector<64x1xf32>
    %mul3A_290 = arith.constant 2.000000e+00 : f32
    %mul3A_291 = vector.broadcast %mul3A_290 : f32 to vector<64x128xf32>
    %mul3A_292 = arith.mulf %mul3A_291, %dot_general3A_285 : vector<64x128xf32>
    %sub3A_293 = vector.broadcast %broadcast_in_dim3A : vector<1x128xf32> to vector<64x128xf32>
    %sub3A_294 = arith.subf %mul3A_292, %sub3A_293 : vector<64x128xf32>
    %sub3A_295 = vector.broadcast %broadcast_in_dim3A_289 : vector<64x1xf32> to vector<64x128xf32>
    %sub3A_296 = arith.subf %sub3A_294, %sub3A_295 : vector<64x128xf32>
    %reduce_max3A_297 = arith.constant dense<0xFF800000> : vector<64xf32>
    %reduce_max3A_298 = vector.multi_reduction <maximumf>, %sub3A_296, %reduce_max3A_297 [1] : vector<64x128xf32> to vector<64xf32>
    %broadcast_in_dim3A_299 = vector.shape_cast %reduce_max3A_298 : vector<64xf32> to vector<64x1xf32>
    %sub3A_300 = vector.broadcast %broadcast_in_dim3A_299 : vector<64x1xf32> to vector<64x128xf32>
    %sub3A_301 = arith.subf %sub3A_296, %sub3A_300 : vector<64x128xf32>
    %exp3A_302 = math.exp %sub3A_301 : vector<64x128xf32>
    %reduce_sum3A_303 = arith.constant dense<0.000000e+00> : vector<64xf32>
    %reduce_sum3A_304 = vector.multi_reduction <add>, %exp3A_302, %reduce_sum3A_303 [1] : vector<64x128xf32> to vector<64xf32>
    %broadcast_in_dim3A_305 = vector.shape_cast %reduce_sum3A_304 : vector<64xf32> to vector<64x1xf32>
    %div3A_306 = vector.broadcast %broadcast_in_dim3A_305 : vector<64x1xf32> to vector<64x128xf32>
    %div3A_307 = arith.divf %exp3A_302, %div3A_306 : vector<64x128xf32>
    %add3A_308 = arith.constant 1.000000e-03 : f32
    %add3A_309 = vector.broadcast %add3A_308 : f32 to vector<64x128xf32>
    %add3A_310 = arith.addf %div3A_307, %add3A_309 : vector<64x128xf32>
    %log3A_311 = math.log %add3A_310 : vector<64x128xf32>
    %mul3A_312 = arith.mulf %div3A_307, %log3A_311 : vector<64x128xf32>
    %reduce_sum3A_313 = arith.constant dense<0.000000e+00> : vector<64xf32>
    %reduce_sum3A_314 = vector.multi_reduction <add>, %mul3A_312, %reduce_sum3A_313 [1] : vector<64x128xf32> to vector<64xf32>
    %broadcast_in_dim3A_315 = vector.shape_cast %reduce_sum3A_314 : vector<64xf32> to vector<64x1xf32>
    %neg3A_316 = arith.constant 0.000000e+00 : f32
    %neg3A_317 = vector.broadcast %neg3A_316 : f32 to vector<64x1xf32>
    %neg3A_318 = arith.subf %neg3A_317, %broadcast_in_dim3A_315 : vector<64x1xf32>
    %max3A_319 = arith.constant 0.000000e+00 : f32
    %max3A_320 = vector.broadcast %max3A_319 : f32 to vector<64x1xf32>
    %max3A_321 = arith.maximumf %neg3A_318, %max3A_320 : vector<64x1xf32>
    %get3A_322 = arith.constant 192 : index
    %get3A_323 = arith.constant 0 : index
    %get3A_324 = vector.load %arg2[%get3A_322, %get3A_323] : memref<512x16xf32, #tpu.memory_space<vmem>>, vector<64x16xf32>
    %reduce_max3A_325 = arith.constant dense<0xFF800000> : vector<64xf32>
    %reduce_max3A_326 = vector.multi_reduction <maximumf>, %get3A_324, %reduce_max3A_325 [1] : vector<64x16xf32> to vector<64xf32>
    %broadcast_in_dim3A_327 = vector.shape_cast %reduce_max3A_326 : vector<64xf32> to vector<64x1xf32>
    %sub3A_328 = vector.broadcast %broadcast_in_dim3A_327 : vector<64x1xf32> to vector<64x16xf32>
    %sub3A_329 = arith.subf %get3A_324, %sub3A_328 : vector<64x16xf32>
    %exp3A_330 = math.exp %sub3A_329 : vector<64x16xf32>
    %reduce_sum3A_331 = arith.constant dense<0.000000e+00> : vector<64xf32>
    %reduce_sum3A_332 = vector.multi_reduction <add>, %exp3A_330, %reduce_sum3A_331 [1] : vector<64x16xf32> to vector<64xf32>
    %broadcast_in_dim3A_333 = vector.shape_cast %reduce_sum3A_332 : vector<64xf32> to vector<64x1xf32>
    %div3A_334 = vector.broadcast %broadcast_in_dim3A_333 : vector<64x1xf32> to vector<64x16xf32>
    %div3A_335 = arith.divf %exp3A_330, %div3A_334 : vector<64x16xf32>
    %dot_general3A_336 = arith.constant dense<0.000000e+00> : vector<64x128xf32>
    %dot_general3A_337 = tpu.matmul %div3A_335, %convert_element_type3A_32, %dot_general3A_336 {dimension_numbers = #tpu.dot_dimension_numbers<[1], [0], [0], [1], [0, 0, 1, 1], [], []>, precision = #tpu.contract_precision<fp32>, transpose_lhs_hint = false} : vector<64x16xf32>, vector<16x128xf32>, vector<64x128xf32> -> vector<64x128xf32>
    %add3A_338 = arith.constant 1.000000e-03 : f32
    %add3A_339 = vector.broadcast %add3A_338 : f32 to vector<64x128xf32>
    %add3A_340 = arith.addf %dot_general3A_337, %add3A_339 : vector<64x128xf32>
    %log3A_341 = math.log %add3A_340 : vector<64x128xf32>
    %mul3A_342 = arith.mulf %dot_general3A_337, %log3A_341 : vector<64x128xf32>
    %reduce_sum3A_343 = arith.constant dense<0.000000e+00> : vector<64xf32>
    %reduce_sum3A_344 = vector.multi_reduction <add>, %mul3A_342, %reduce_sum3A_343 [1] : vector<64x128xf32> to vector<64xf32>
    %broadcast_in_dim3A_345 = vector.shape_cast %reduce_sum3A_344 : vector<64xf32> to vector<64x1xf32>
    %neg3A_346 = arith.constant 0.000000e+00 : f32
    %neg3A_347 = vector.broadcast %neg3A_346 : f32 to vector<64x1xf32>
    %neg3A_348 = arith.subf %neg3A_347, %broadcast_in_dim3A_345 : vector<64x1xf32>
    %max3A_349 = arith.constant 0.000000e+00 : f32
    %max3A_350 = vector.broadcast %max3A_349 : f32 to vector<64x1xf32>
    %max3A_351 = arith.maximumf %neg3A_348, %max3A_350 : vector<64x1xf32>
    %add3A_352 = arith.constant 1.000000e+00 : f32
    %add3A_353 = vector.broadcast %add3A_352 : f32 to vector<64x1xf32>
    %add3A_354 = arith.addf %add3A_353, %max3A_351 : vector<64x1xf32>
    %div3A_355 = vector.broadcast %add3A_354 : vector<64x1xf32> to vector<64x128xf32>
    %div3A_356 = arith.divf %dot_general3A_337, %div3A_355 : vector<64x128xf32>
    %add3A_357 = arith.constant 1.000000e+00 : f32
    %add3A_358 = vector.broadcast %add3A_357 : f32 to vector<64x1xf32>
    %add3A_359 = arith.addf %add3A_358, %max3A_321 : vector<64x1xf32>
    %div3A_360 = vector.broadcast %add3A_359 : vector<64x1xf32> to vector<64x128xf32>
    %div3A_361 = arith.divf %div3A_307, %div3A_360 : vector<64x128xf32>
    %add3A_362 = arith.addf %div3A_356, %div3A_361 : vector<64x128xf32>
    %swap3A_363 = arith.constant 192 : index
    %swap3A_364 = arith.constant 0 : index
    %swap3A_365 = vector.load %arg5[%swap3A_363, %swap3A_364] : memref<512x128xf32, #tpu.memory_space<vmem>>, vector<64x128xf32>
    tpu.vector_store %arg5[%swap3A_363, %swap3A_364], %add3A_362 {strides = array<i32>} : memref<512x128xf32, #tpu.memory_space<vmem>>, vector<64x128xf32>,
    %get3A_366 = arith.constant 256 : index
    %get3A_367 = arith.constant 0 : index
    %get3A_368 = vector.load %arg1[%get3A_366, %get3A_367] : memref<512x768xf32, #tpu.memory_space<vmem>>, vector<64x768xf32>
    %dot_general3A_369 = arith.constant dense<0.000000e+00> : vector<64x128xf32>
    %dot_general3A_370 = tpu.matmul %get3A_368, %get3A_6, %dot_general3A_369 {dimension_numbers = #tpu.dot_dimension_numbers<[1], [0], [0], [1], [0, 0, 1, 1], [], []>, precision = #tpu.contract_precision<fp32>, transpose_lhs_hint = false} : vector<64x768xf32>, vector<768x128xf32>, vector<64x128xf32> -> vector<64x128xf32>
    %mul3A_371 = arith.mulf %get3A_368, %get3A_368 : vector<64x768xf32>
    %reduce_sum3A_372 = arith.constant dense<0.000000e+00> : vector<64xf32>
    %reduce_sum3A_373 = vector.multi_reduction <add>, %mul3A_371, %reduce_sum3A_372 [1] : vector<64x768xf32> to vector<64xf32>
    %broadcast_in_dim3A_374 = vector.shape_cast %reduce_sum3A_373 : vector<64xf32> to vector<64x1xf32>
    %mul3A_375 = arith.constant 2.000000e+00 : f32
    %mul3A_376 = vector.broadcast %mul3A_375 : f32 to vector<64x128xf32>
    %mul3A_377 = arith.mulf %mul3A_376, %dot_general3A_370 : vector<64x128xf32>
    %sub3A_378 = vector.broadcast %broadcast_in_dim3A : vector<1x128xf32> to vector<64x128xf32>
    %sub3A_379 = arith.subf %mul3A_377, %sub3A_378 : vector<64x128xf32>
    %sub3A_380 = vector.broadcast %broadcast_in_dim3A_374 : vector<64x1xf32> to vector<64x128xf32>
    %sub3A_381 = arith.subf %sub3A_379, %sub3A_380 : vector<64x128xf32>
    %reduce_max3A_382 = arith.constant dense<0xFF800000> : vector<64xf32>
    %reduce_max3A_383 = vector.multi_reduction <maximumf>, %sub3A_381, %reduce_max3A_382 [1] : vector<64x128xf32> to vector<64xf32>
    %broadcast_in_dim3A_384 = vector.shape_cast %reduce_max3A_383 : vector<64xf32> to vector<64x1xf32>
    %sub3A_385 = vector.broadcast %broadcast_in_dim3A_384 : vector<64x1xf32> to vector<64x128xf32>
    %sub3A_386 = arith.subf %sub3A_381, %sub3A_385 : vector<64x128xf32>
    %exp3A_387 = math.exp %sub3A_386 : vector<64x128xf32>
    %reduce_sum3A_388 = arith.constant dense<0.000000e+00> : vector<64xf32>
    %reduce_sum3A_389 = vector.multi_reduction <add>, %exp3A_387, %reduce_sum3A_388 [1] : vector<64x128xf32> to vector<64xf32>
    %broadcast_in_dim3A_390 = vector.shape_cast %reduce_sum3A_389 : vector<64xf32> to vector<64x1xf32>
    %div3A_391 = vector.broadcast %broadcast_in_dim3A_390 : vector<64x1xf32> to vector<64x128xf32>
    %div3A_392 = arith.divf %exp3A_387, %div3A_391 : vector<64x128xf32>
    %add3A_393 = arith.constant 1.000000e-03 : f32
    %add3A_394 = vector.broadcast %add3A_393 : f32 to vector<64x128xf32>
    %add3A_395 = arith.addf %div3A_392, %add3A_394 : vector<64x128xf32>
    %log3A_396 = math.log %add3A_395 : vector<64x128xf32>
    %mul3A_397 = arith.mulf %div3A_392, %log3A_396 : vector<64x128xf32>
    %reduce_sum3A_398 = arith.constant dense<0.000000e+00> : vector<64xf32>
    %reduce_sum3A_399 = vector.multi_reduction <add>, %mul3A_397, %reduce_sum3A_398 [1] : vector<64x128xf32> to vector<64xf32>
    %broadcast_in_dim3A_400 = vector.shape_cast %reduce_sum3A_399 : vector<64xf32> to vector<64x1xf32>
    %neg3A_401 = arith.constant 0.000000e+00 : f32
    %neg3A_402 = vector.broadcast %neg3A_401 : f32 to vector<64x1xf32>
    %neg3A_403 = arith.subf %neg3A_402, %broadcast_in_dim3A_400 : vector<64x1xf32>
    %max3A_404 = arith.constant 0.000000e+00 : f32
    %max3A_405 = vector.broadcast %max3A_404 : f32 to vector<64x1xf32>
    %max3A_406 = arith.maximumf %neg3A_403, %max3A_405 : vector<64x1xf32>
    %get3A_407 = arith.constant 256 : index
    %get3A_408 = arith.constant 0 : index
    %get3A_409 = vector.load %arg2[%get3A_407, %get3A_408] : memref<512x16xf32, #tpu.memory_space<vmem>>, vector<64x16xf32>
    %reduce_max3A_410 = arith.constant dense<0xFF800000> : vector<64xf32>
    %reduce_max3A_411 = vector.multi_reduction <maximumf>, %get3A_409, %reduce_max3A_410 [1] : vector<64x16xf32> to vector<64xf32>
    %broadcast_in_dim3A_412 = vector.shape_cast %reduce_max3A_411 : vector<64xf32> to vector<64x1xf32>
    %sub3A_413 = vector.broadcast %broadcast_in_dim3A_412 : vector<64x1xf32> to vector<64x16xf32>
    %sub3A_414 = arith.subf %get3A_409, %sub3A_413 : vector<64x16xf32>
    %exp3A_415 = math.exp %sub3A_414 : vector<64x16xf32>
    %reduce_sum3A_416 = arith.constant dense<0.000000e+00> : vector<64xf32>
    %reduce_sum3A_417 = vector.multi_reduction <add>, %exp3A_415, %reduce_sum3A_416 [1] : vector<64x16xf32> to vector<64xf32>
    %broadcast_in_dim3A_418 = vector.shape_cast %reduce_sum3A_417 : vector<64xf32> to vector<64x1xf32>
    %div3A_419 = vector.broadcast %broadcast_in_dim3A_418 : vector<64x1xf32> to vector<64x16xf32>
    %div3A_420 = arith.divf %exp3A_415, %div3A_419 : vector<64x16xf32>
    %dot_general3A_421 = arith.constant dense<0.000000e+00> : vector<64x128xf32>
    %dot_general3A_422 = tpu.matmul %div3A_420, %convert_element_type3A_32, %dot_general3A_421 {dimension_numbers = #tpu.dot_dimension_numbers<[1], [0], [0], [1], [0, 0, 1, 1], [], []>, precision = #tpu.contract_precision<fp32>, transpose_lhs_hint = false} : vector<64x16xf32>, vector<16x128xf32>, vector<64x128xf32> -> vector<64x128xf32>
    %add3A_423 = arith.constant 1.000000e-03 : f32
    %add3A_424 = vector.broadcast %add3A_423 : f32 to vector<64x128xf32>
    %add3A_425 = arith.addf %dot_general3A_422, %add3A_424 : vector<64x128xf32>
    %log3A_426 = math.log %add3A_425 : vector<64x128xf32>
    %mul3A_427 = arith.mulf %dot_general3A_422, %log3A_426 : vector<64x128xf32>
    %reduce_sum3A_428 = arith.constant dense<0.000000e+00> : vector<64xf32>
    %reduce_sum3A_429 = vector.multi_reduction <add>, %mul3A_427, %reduce_sum3A_428 [1] : vector<64x128xf32> to vector<64xf32>
    %broadcast_in_dim3A_430 = vector.shape_cast %reduce_sum3A_429 : vector<64xf32> to vector<64x1xf32>
    %neg3A_431 = arith.constant 0.000000e+00 : f32
    %neg3A_432 = vector.broadcast %neg3A_431 : f32 to vector<64x1xf32>
    %neg3A_433 = arith.subf %neg3A_432, %broadcast_in_dim3A_430 : vector<64x1xf32>
    %max3A_434 = arith.constant 0.000000e+00 : f32
    %max3A_435 = vector.broadcast %max3A_434 : f32 to vector<64x1xf32>
    %max3A_436 = arith.maximumf %neg3A_433, %max3A_435 : vector<64x1xf32>
    %add3A_437 = arith.constant 1.000000e+00 : f32
    %add3A_438 = vector.broadcast %add3A_437 : f32 to vector<64x1xf32>
    %add3A_439 = arith.addf %add3A_438, %max3A_436 : vector<64x1xf32>
    %div3A_440 = vector.broadcast %add3A_439 : vector<64x1xf32> to vector<64x128xf32>
    %div3A_441 = arith.divf %dot_general3A_422, %div3A_440 : vector<64x128xf32>
    %add3A_442 = arith.constant 1.000000e+00 : f32
    %add3A_443 = vector.broadcast %add3A_442 : f32 to vector<64x1xf32>
    %add3A_444 = arith.addf %add3A_443, %max3A_406 : vector<64x1xf32>
    %div3A_445 = vector.broadcast %add3A_444 : vector<64x1xf32> to vector<64x128xf32>
    %div3A_446 = arith.divf %div3A_392, %div3A_445 : vector<64x128xf32>
    %add3A_447 = arith.addf %div3A_441, %div3A_446 : vector<64x128xf32>
    %swap3A_448 = arith.constant 256 : index
    %swap3A_449 = arith.constant 0 : index
    %swap3A_450 = vector.load %arg5[%swap3A_448, %swap3A_449] : memref<512x128xf32, #tpu.memory_space<vmem>>, vector<64x128xf32>
    tpu.vector_store %arg5[%swap3A_448, %swap3A_449], %add3A_447 {strides = array<i32>} : memref<512x128xf32, #tpu.memory_space<vmem>>, vector<64x128xf32>,
    %get3A_451 = arith.constant 320 : index
    %get3A_452 = arith.constant 0 : index
    %get3A_453 = vector.load %arg1[%get3A_451, %get3A_452] : memref<512x768xf32, #tpu.memory_space<vmem>>, vector<64x768xf32>
    %dot_general3A_454 = arith.constant dense<0.000000e+00> : vector<64x128xf32>
    %dot_general3A_455 = tpu.matmul %get3A_453, %get3A_6, %dot_general3A_454 {dimension_numbers = #tpu.dot_dimension_numbers<[1], [0], [0], [1], [0, 0, 1, 1], [], []>, precision = #tpu.contract_precision<fp32>, transpose_lhs_hint = false} : vector<64x768xf32>, vector<768x128xf32>, vector<64x128xf32> -> vector<64x128xf32>
    %mul3A_456 = arith.mulf %get3A_453, %get3A_453 : vector<64x768xf32>
    %reduce_sum3A_457 = arith.constant dense<0.000000e+00> : vector<64xf32>
    %reduce_sum3A_458 = vector.multi_reduction <add>, %mul3A_456, %reduce_sum3A_457 [1] : vector<64x768xf32> to vector<64xf32>
    %broadcast_in_dim3A_459 = vector.shape_cast %reduce_sum3A_458 : vector<64xf32> to vector<64x1xf32>
    %mul3A_460 = arith.constant 2.000000e+00 : f32
    %mul3A_461 = vector.broadcast %mul3A_460 : f32 to vector<64x128xf32>
    %mul3A_462 = arith.mulf %mul3A_461, %dot_general3A_455 : vector<64x128xf32>
    %sub3A_463 = vector.broadcast %broadcast_in_dim3A : vector<1x128xf32> to vector<64x128xf32>
    %sub3A_464 = arith.subf %mul3A_462, %sub3A_463 : vector<64x128xf32>
    %sub3A_465 = vector.broadcast %broadcast_in_dim3A_459 : vector<64x1xf32> to vector<64x128xf32>
    %sub3A_466 = arith.subf %sub3A_464, %sub3A_465 : vector<64x128xf32>
    %reduce_max3A_467 = arith.constant dense<0xFF800000> : vector<64xf32>
    %reduce_max3A_468 = vector.multi_reduction <maximumf>, %sub3A_466, %reduce_max3A_467 [1] : vector<64x128xf32> to vector<64xf32>
    %broadcast_in_dim3A_469 = vector.shape_cast %reduce_max3A_468 : vector<64xf32> to vector<64x1xf32>
    %sub3A_470 = vector.broadcast %broadcast_in_dim3A_469 : vector<64x1xf32> to vector<64x128xf32>
    %sub3A_471 = arith.subf %sub3A_466, %sub3A_470 : vector<64x128xf32>
    %exp3A_472 = math.exp %sub3A_471 : vector<64x128xf32>
    %reduce_sum3A_473 = arith.constant dense<0.000000e+00> : vector<64xf32>
    %reduce_sum3A_474 = vector.multi_reduction <add>, %exp3A_472, %reduce_sum3A_473 [1] : vector<64x128xf32> to vector<64xf32>
    %broadcast_in_dim3A_475 = vector.shape_cast %reduce_sum3A_474 : vector<64xf32> to vector<64x1xf32>
    %div3A_476 = vector.broadcast %broadcast_in_dim3A_475 : vector<64x1xf32> to vector<64x128xf32>
    %div3A_477 = arith.divf %exp3A_472, %div3A_476 : vector<64x128xf32>
    %add3A_478 = arith.constant 1.000000e-03 : f32
    %add3A_479 = vector.broadcast %add3A_478 : f32 to vector<64x128xf32>
    %add3A_480 = arith.addf %div3A_477, %add3A_479 : vector<64x128xf32>
    %log3A_481 = math.log %add3A_480 : vector<64x128xf32>
    %mul3A_482 = arith.mulf %div3A_477, %log3A_481 : vector<64x128xf32>
    %reduce_sum3A_483 = arith.constant dense<0.000000e+00> : vector<64xf32>
    %reduce_sum3A_484 = vector.multi_reduction <add>, %mul3A_482, %reduce_sum3A_483 [1] : vector<64x128xf32> to vector<64xf32>
    %broadcast_in_dim3A_485 = vector.shape_cast %reduce_sum3A_484 : vector<64xf32> to vector<64x1xf32>
    %neg3A_486 = arith.constant 0.000000e+00 : f32
    %neg3A_487 = vector.broadcast %neg3A_486 : f32 to vector<64x1xf32>
    %neg3A_488 = arith.subf %neg3A_487, %broadcast_in_dim3A_485 : vector<64x1xf32>
    %max3A_489 = arith.constant 0.000000e+00 : f32
    %max3A_490 = vector.broadcast %max3A_489 : f32 to vector<64x1xf32>
    %max3A_491 = arith.maximumf %neg3A_488, %max3A_490 : vector<64x1xf32>
    %get3A_492 = arith.constant 320 : index
    %get3A_493 = arith.constant 0 : index
    %get3A_494 = vector.load %arg2[%get3A_492, %get3A_493] : memref<512x16xf32, #tpu.memory_space<vmem>>, vector<64x16xf32>
    %reduce_max3A_495 = arith.constant dense<0xFF800000> : vector<64xf32>
    %reduce_max3A_496 = vector.multi_reduction <maximumf>, %get3A_494, %reduce_max3A_495 [1] : vector<64x16xf32> to vector<64xf32>
    %broadcast_in_dim3A_497 = vector.shape_cast %reduce_max3A_496 : vector<64xf32> to vector<64x1xf32>
    %sub3A_498 = vector.broadcast %broadcast_in_dim3A_497 : vector<64x1xf32> to vector<64x16xf32>
    %sub3A_499 = arith.subf %get3A_494, %sub3A_498 : vector<64x16xf32>
    %exp3A_500 = math.exp %sub3A_499 : vector<64x16xf32>
    %reduce_sum3A_501 = arith.constant dense<0.000000e+00> : vector<64xf32>
    %reduce_sum3A_502 = vector.multi_reduction <add>, %exp3A_500, %reduce_sum3A_501 [1] : vector<64x16xf32> to vector<64xf32>
    %broadcast_in_dim3A_503 = vector.shape_cast %reduce_sum3A_502 : vector<64xf32> to vector<64x1xf32>
    %div3A_504 = vector.broadcast %broadcast_in_dim3A_503 : vector<64x1xf32> to vector<64x16xf32>
    %div3A_505 = arith.divf %exp3A_500, %div3A_504 : vector<64x16xf32>
    %dot_general3A_506 = arith.constant dense<0.000000e+00> : vector<64x128xf32>
    %dot_general3A_507 = tpu.matmul %div3A_505, %convert_element_type3A_32, %dot_general3A_506 {dimension_numbers = #tpu.dot_dimension_numbers<[1], [0], [0], [1], [0, 0, 1, 1], [], []>, precision = #tpu.contract_precision<fp32>, transpose_lhs_hint = false} : vector<64x16xf32>, vector<16x128xf32>, vector<64x128xf32> -> vector<64x128xf32>
    %add3A_508 = arith.constant 1.000000e-03 : f32
    %add3A_509 = vector.broadcast %add3A_508 : f32 to vector<64x128xf32>
    %add3A_510 = arith.addf %dot_general3A_507, %add3A_509 : vector<64x128xf32>
    %log3A_511 = math.log %add3A_510 : vector<64x128xf32>
    %mul3A_512 = arith.mulf %dot_general3A_507, %log3A_511 : vector<64x128xf32>
    %reduce_sum3A_513 = arith.constant dense<0.000000e+00> : vector<64xf32>
    %reduce_sum3A_514 = vector.multi_reduction <add>, %mul3A_512, %reduce_sum3A_513 [1] : vector<64x128xf32> to vector<64xf32>
    %broadcast_in_dim3A_515 = vector.shape_cast %reduce_sum3A_514 : vector<64xf32> to vector<64x1xf32>
    %neg3A_516 = arith.constant 0.000000e+00 : f32
    %neg3A_517 = vector.broadcast %neg3A_516 : f32 to vector<64x1xf32>
    %neg3A_518 = arith.subf %neg3A_517, %broadcast_in_dim3A_515 : vector<64x1xf32>
    %max3A_519 = arith.constant 0.000000e+00 : f32
    %max3A_520 = vector.broadcast %max3A_519 : f32 to vector<64x1xf32>
    %max3A_521 = arith.maximumf %neg3A_518, %max3A_520 : vector<64x1xf32>
    %add3A_522 = arith.constant 1.000000e+00 : f32
    %add3A_523 = vector.broadcast %add3A_522 : f32 to vector<64x1xf32>
    %add3A_524 = arith.addf %add3A_523, %max3A_521 : vector<64x1xf32>
    %div3A_525 = vector.broadcast %add3A_524 : vector<64x1xf32> to vector<64x128xf32>
    %div3A_526 = arith.divf %dot_general3A_507, %div3A_525 : vector<64x128xf32>
    %add3A_527 = arith.constant 1.000000e+00 : f32
    %add3A_528 = vector.broadcast %add3A_527 : f32 to vector<64x1xf32>
    %add3A_529 = arith.addf %add3A_528, %max3A_491 : vector<64x1xf32>
    %div3A_530 = vector.broadcast %add3A_529 : vector<64x1xf32> to vector<64x128xf32>
    %div3A_531 = arith.divf %div3A_477, %div3A_530 : vector<64x128xf32>
    %add3A_532 = arith.addf %div3A_526, %div3A_531 : vector<64x128xf32>
    %swap3A_533 = arith.constant 320 : index
    %swap3A_534 = arith.constant 0 : index
    %swap3A_535 = vector.load %arg5[%swap3A_533, %swap3A_534] : memref<512x128xf32, #tpu.memory_space<vmem>>, vector<64x128xf32>
    tpu.vector_store %arg5[%swap3A_533, %swap3A_534], %add3A_532 {strides = array<i32>} : memref<512x128xf32, #tpu.memory_space<vmem>>, vector<64x128xf32>,
    %get3A_536 = arith.constant 384 : index
    %get3A_537 = arith.constant 0 : index
    %get3A_538 = vector.load %arg1[%get3A_536, %get3A_537] : memref<512x768xf32, #tpu.memory_space<vmem>>, vector<64x768xf32>
    %dot_general3A_539 = arith.constant dense<0.000000e+00> : vector<64x128xf32>
    %dot_general3A_540 = tpu.matmul %get3A_538, %get3A_6, %dot_general3A_539 {dimension_numbers = #tpu.dot_dimension_numbers<[1], [0], [0], [1], [0, 0, 1, 1], [], []>, precision = #tpu.contract_precision<fp32>, transpose_lhs_hint = false} : vector<64x768xf32>, vector<768x128xf32>, vector<64x128xf32> -> vector<64x128xf32>
    %mul3A_541 = arith.mulf %get3A_538, %get3A_538 : vector<64x768xf32>
    %reduce_sum3A_542 = arith.constant dense<0.000000e+00> : vector<64xf32>
    %reduce_sum3A_543 = vector.multi_reduction <add>, %mul3A_541, %reduce_sum3A_542 [1] : vector<64x768xf32> to vector<64xf32>
    %broadcast_in_dim3A_544 = vector.shape_cast %reduce_sum3A_543 : vector<64xf32> to vector<64x1xf32>
    %mul3A_545 = arith.constant 2.000000e+00 : f32
    %mul3A_546 = vector.broadcast %mul3A_545 : f32 to vector<64x128xf32>
    %mul3A_547 = arith.mulf %mul3A_546, %dot_general3A_540 : vector<64x128xf32>
    %sub3A_548 = vector.broadcast %broadcast_in_dim3A : vector<1x128xf32> to vector<64x128xf32>
    %sub3A_549 = arith.subf %mul3A_547, %sub3A_548 : vector<64x128xf32>
    %sub3A_550 = vector.broadcast %broadcast_in_dim3A_544 : vector<64x1xf32> to vector<64x128xf32>
    %sub3A_551 = arith.subf %sub3A_549, %sub3A_550 : vector<64x128xf32>
    %reduce_max3A_552 = arith.constant dense<0xFF800000> : vector<64xf32>
    %reduce_max3A_553 = vector.multi_reduction <maximumf>, %sub3A_551, %reduce_max3A_552 [1] : vector<64x128xf32> to vector<64xf32>
    %broadcast_in_dim3A_554 = vector.shape_cast %reduce_max3A_553 : vector<64xf32> to vector<64x1xf32>
    %sub3A_555 = vector.broadcast %broadcast_in_dim3A_554 : vector<64x1xf32> to vector<64x128xf32>
    %sub3A_556 = arith.subf %sub3A_551, %sub3A_555 : vector<64x128xf32>
    %exp3A_557 = math.exp %sub3A_556 : vector<64x128xf32>
    %reduce_sum3A_558 = arith.constant dense<0.000000e+00> : vector<64xf32>
    %reduce_sum3A_559 = vector.multi_reduction <add>, %exp3A_557, %reduce_sum3A_558 [1] : vector<64x128xf32> to vector<64xf32>
    %broadcast_in_dim3A_560 = vector.shape_cast %reduce_sum3A_559 : vector<64xf32> to vector<64x1xf32>
    %div3A_561 = vector.broadcast %broadcast_in_dim3A_560 : vector<64x1xf32> to vector<64x128xf32>
    %div3A_562 = arith.divf %exp3A_557, %div3A_561 : vector<64x128xf32>
    %add3A_563 = arith.constant 1.000000e-03 : f32
    %add3A_564 = vector.broadcast %add3A_563 : f32 to vector<64x128xf32>
    %add3A_565 = arith.addf %div3A_562, %add3A_564 : vector<64x128xf32>
    %log3A_566 = math.log %add3A_565 : vector<64x128xf32>
    %mul3A_567 = arith.mulf %div3A_562, %log3A_566 : vector<64x128xf32>
    %reduce_sum3A_568 = arith.constant dense<0.000000e+00> : vector<64xf32>
    %reduce_sum3A_569 = vector.multi_reduction <add>, %mul3A_567, %reduce_sum3A_568 [1] : vector<64x128xf32> to vector<64xf32>
    %broadcast_in_dim3A_570 = vector.shape_cast %reduce_sum3A_569 : vector<64xf32> to vector<64x1xf32>
    %neg3A_571 = arith.constant 0.000000e+00 : f32
    %neg3A_572 = vector.broadcast %neg3A_571 : f32 to vector<64x1xf32>
    %neg3A_573 = arith.subf %neg3A_572, %broadcast_in_dim3A_570 : vector<64x1xf32>
    %max3A_574 = arith.constant 0.000000e+00 : f32
    %max3A_575 = vector.broadcast %max3A_574 : f32 to vector<64x1xf32>
    %max3A_576 = arith.maximumf %neg3A_573, %max3A_575 : vector<64x1xf32>
    %get3A_577 = arith.constant 384 : index
    %get3A_578 = arith.constant 0 : index
    %get3A_579 = vector.load %arg2[%get3A_577, %get3A_578] : memref<512x16xf32, #tpu.memory_space<vmem>>, vector<64x16xf32>
    %reduce_max3A_580 = arith.constant dense<0xFF800000> : vector<64xf32>
    %reduce_max3A_581 = vector.multi_reduction <maximumf>, %get3A_579, %reduce_max3A_580 [1] : vector<64x16xf32> to vector<64xf32>
    %broadcast_in_dim3A_582 = vector.shape_cast %reduce_max3A_581 : vector<64xf32> to vector<64x1xf32>
    %sub3A_583 = vector.broadcast %broadcast_in_dim3A_582 : vector<64x1xf32> to vector<64x16xf32>
    %sub3A_584 = arith.subf %get3A_579, %sub3A_583 : vector<64x16xf32>
    %exp3A_585 = math.exp %sub3A_584 : vector<64x16xf32>
    %reduce_sum3A_586 = arith.constant dense<0.000000e+00> : vector<64xf32>
    %reduce_sum3A_587 = vector.multi_reduction <add>, %exp3A_585, %reduce_sum3A_586 [1] : vector<64x16xf32> to vector<64xf32>
    %broadcast_in_dim3A_588 = vector.shape_cast %reduce_sum3A_587 : vector<64xf32> to vector<64x1xf32>
    %div3A_589 = vector.broadcast %broadcast_in_dim3A_588 : vector<64x1xf32> to vector<64x16xf32>
    %div3A_590 = arith.divf %exp3A_585, %div3A_589 : vector<64x16xf32>
    %dot_general3A_591 = arith.constant dense<0.000000e+00> : vector<64x128xf32>
    %dot_general3A_592 = tpu.matmul %div3A_590, %convert_element_type3A_32, %dot_general3A_591 {dimension_numbers = #tpu.dot_dimension_numbers<[1], [0], [0], [1], [0, 0, 1, 1], [], []>, precision = #tpu.contract_precision<fp32>, transpose_lhs_hint = false} : vector<64x16xf32>, vector<16x128xf32>, vector<64x128xf32> -> vector<64x128xf32>
    %add3A_593 = arith.constant 1.000000e-03 : f32
    %add3A_594 = vector.broadcast %add3A_593 : f32 to vector<64x128xf32>
    %add3A_595 = arith.addf %dot_general3A_592, %add3A_594 : vector<64x128xf32>
    %log3A_596 = math.log %add3A_595 : vector<64x128xf32>
    %mul3A_597 = arith.mulf %dot_general3A_592, %log3A_596 : vector<64x128xf32>
    %reduce_sum3A_598 = arith.constant dense<0.000000e+00> : vector<64xf32>
    %reduce_sum3A_599 = vector.multi_reduction <add>, %mul3A_597, %reduce_sum3A_598 [1] : vector<64x128xf32> to vector<64xf32>
    %broadcast_in_dim3A_600 = vector.shape_cast %reduce_sum3A_599 : vector<64xf32> to vector<64x1xf32>
    %neg3A_601 = arith.constant 0.000000e+00 : f32
    %neg3A_602 = vector.broadcast %neg3A_601 : f32 to vector<64x1xf32>
    %neg3A_603 = arith.subf %neg3A_602, %broadcast_in_dim3A_600 : vector<64x1xf32>
    %max3A_604 = arith.constant 0.000000e+00 : f32
    %max3A_605 = vector.broadcast %max3A_604 : f32 to vector<64x1xf32>
    %max3A_606 = arith.maximumf %neg3A_603, %max3A_605 : vector<64x1xf32>
    %add3A_607 = arith.constant 1.000000e+00 : f32
    %add3A_608 = vector.broadcast %add3A_607 : f32 to vector<64x1xf32>
    %add3A_609 = arith.addf %add3A_608, %max3A_606 : vector<64x1xf32>
    %div3A_610 = vector.broadcast %add3A_609 : vector<64x1xf32> to vector<64x128xf32>
    %div3A_611 = arith.divf %dot_general3A_592, %div3A_610 : vector<64x128xf32>
    %add3A_612 = arith.constant 1.000000e+00 : f32
    %add3A_613 = vector.broadcast %add3A_612 : f32 to vector<64x1xf32>
    %add3A_614 = arith.addf %add3A_613, %max3A_576 : vector<64x1xf32>
    %div3A_615 = vector.broadcast %add3A_614 : vector<64x1xf32> to vector<64x128xf32>
    %div3A_616 = arith.divf %div3A_562, %div3A_615 : vector<64x128xf32>
    %add3A_617 = arith.addf %div3A_611, %div3A_616 : vector<64x128xf32>
    %swap3A_618 = arith.constant 384 : index
    %swap3A_619 = arith.constant 0 : index
    %swap3A_620 = vector.load %arg5[%swap3A_618, %swap3A_619] : memref<512x128xf32, #tpu.memory_space<vmem>>, vector<64x128xf32>
    tpu.vector_store %arg5[%swap3A_618, %swap3A_619], %add3A_617 {strides = array<i32>} : memref<512x128xf32, #tpu.memory_space<vmem>>, vector<64x128xf32>,
    %get3A_621 = arith.constant 448 : index
    %get3A_622 = arith.constant 0 : index
    %get3A_623 = vector.load %arg1[%get3A_621, %get3A_622] : memref<512x768xf32, #tpu.memory_space<vmem>>, vector<64x768xf32>
    %dot_general3A_624 = arith.constant dense<0.000000e+00> : vector<64x128xf32>
    %dot_general3A_625 = tpu.matmul %get3A_623, %get3A_6, %dot_general3A_624 {dimension_numbers = #tpu.dot_dimension_numbers<[1], [0], [0], [1], [0, 0, 1, 1], [], []>, precision = #tpu.contract_precision<fp32>, transpose_lhs_hint = false} : vector<64x768xf32>, vector<768x128xf32>, vector<64x128xf32> -> vector<64x128xf32>
    %mul3A_626 = arith.mulf %get3A_623, %get3A_623 : vector<64x768xf32>
    %reduce_sum3A_627 = arith.constant dense<0.000000e+00> : vector<64xf32>
    %reduce_sum3A_628 = vector.multi_reduction <add>, %mul3A_626, %reduce_sum3A_627 [1] : vector<64x768xf32> to vector<64xf32>
    %broadcast_in_dim3A_629 = vector.shape_cast %reduce_sum3A_628 : vector<64xf32> to vector<64x1xf32>
    %mul3A_630 = arith.constant 2.000000e+00 : f32
    %mul3A_631 = vector.broadcast %mul3A_630 : f32 to vector<64x128xf32>
    %mul3A_632 = arith.mulf %mul3A_631, %dot_general3A_625 : vector<64x128xf32>
    %sub3A_633 = vector.broadcast %broadcast_in_dim3A : vector<1x128xf32> to vector<64x128xf32>
    %sub3A_634 = arith.subf %mul3A_632, %sub3A_633 : vector<64x128xf32>
    %sub3A_635 = vector.broadcast %broadcast_in_dim3A_629 : vector<64x1xf32> to vector<64x128xf32>
    %sub3A_636 = arith.subf %sub3A_634, %sub3A_635 : vector<64x128xf32>
    %reduce_max3A_637 = arith.constant dense<0xFF800000> : vector<64xf32>
    %reduce_max3A_638 = vector.multi_reduction <maximumf>, %sub3A_636, %reduce_max3A_637 [1] : vector<64x128xf32> to vector<64xf32>
    %broadcast_in_dim3A_639 = vector.shape_cast %reduce_max3A_638 : vector<64xf32> to vector<64x1xf32>
    %sub3A_640 = vector.broadcast %broadcast_in_dim3A_639 : vector<64x1xf32> to vector<64x128xf32>
    %sub3A_641 = arith.subf %sub3A_636, %sub3A_640 : vector<64x128xf32>
    %exp3A_642 = math.exp %sub3A_641 : vector<64x128xf32>
    %reduce_sum3A_643 = arith.constant dense<0.000000e+00> : vector<64xf32>
    %reduce_sum3A_644 = vector.multi_reduction <add>, %exp3A_642, %reduce_sum3A_643 [1] : vector<64x128xf32> to vector<64xf32>
    %broadcast_in_dim3A_645 = vector.shape_cast %reduce_sum3A_644 : vector<64xf32> to vector<64x1xf32>
    %div3A_646 = vector.broadcast %broadcast_in_dim3A_645 : vector<64x1xf32> to vector<64x128xf32>
    %div3A_647 = arith.divf %exp3A_642, %div3A_646 : vector<64x128xf32>
    %add3A_648 = arith.constant 1.000000e-03 : f32
    %add3A_649 = vector.broadcast %add3A_648 : f32 to vector<64x128xf32>
    %add3A_650 = arith.addf %div3A_647, %add3A_649 : vector<64x128xf32>
    %log3A_651 = math.log %add3A_650 : vector<64x128xf32>
    %mul3A_652 = arith.mulf %div3A_647, %log3A_651 : vector<64x128xf32>
    %reduce_sum3A_653 = arith.constant dense<0.000000e+00> : vector<64xf32>
    %reduce_sum3A_654 = vector.multi_reduction <add>, %mul3A_652, %reduce_sum3A_653 [1] : vector<64x128xf32> to vector<64xf32>
    %broadcast_in_dim3A_655 = vector.shape_cast %reduce_sum3A_654 : vector<64xf32> to vector<64x1xf32>
    %neg3A_656 = arith.constant 0.000000e+00 : f32
    %neg3A_657 = vector.broadcast %neg3A_656 : f32 to vector<64x1xf32>
    %neg3A_658 = arith.subf %neg3A_657, %broadcast_in_dim3A_655 : vector<64x1xf32>
    %max3A_659 = arith.constant 0.000000e+00 : f32
    %max3A_660 = vector.broadcast %max3A_659 : f32 to vector<64x1xf32>
    %max3A_661 = arith.maximumf %neg3A_658, %max3A_660 : vector<64x1xf32>
    %get3A_662 = arith.constant 448 : index
    %get3A_663 = arith.constant 0 : index
    %get3A_664 = vector.load %arg2[%get3A_662, %get3A_663] : memref<512x16xf32, #tpu.memory_space<vmem>>, vector<64x16xf32>
    %reduce_max3A_665 = arith.constant dense<0xFF800000> : vector<64xf32>
    %reduce_max3A_666 = vector.multi_reduction <maximumf>, %get3A_664, %reduce_max3A_665 [1] : vector<64x16xf32> to vector<64xf32>
    %broadcast_in_dim3A_667 = vector.shape_cast %reduce_max3A_666 : vector<64xf32> to vector<64x1xf32>
    %sub3A_668 = vector.broadcast %broadcast_in_dim3A_667 : vector<64x1xf32> to vector<64x16xf32>
    %sub3A_669 = arith.subf %get3A_664, %sub3A_668 : vector<64x16xf32>
    %exp3A_670 = math.exp %sub3A_669 : vector<64x16xf32>
    %reduce_sum3A_671 = arith.constant dense<0.000000e+00> : vector<64xf32>
    %reduce_sum3A_672 = vector.multi_reduction <add>, %exp3A_670, %reduce_sum3A_671 [1] : vector<64x16xf32> to vector<64xf32>
    %broadcast_in_dim3A_673 = vector.shape_cast %reduce_sum3A_672 : vector<64xf32> to vector<64x1xf32>
    %div3A_674 = vector.broadcast %broadcast_in_dim3A_673 : vector<64x1xf32> to vector<64x16xf32>
    %div3A_675 = arith.divf %exp3A_670, %div3A_674 : vector<64x16xf32>
    %dot_general3A_676 = arith.constant dense<0.000000e+00> : vector<64x128xf32>
    %dot_general3A_677 = tpu.matmul %div3A_675, %convert_element_type3A_32, %dot_general3A_676 {dimension_numbers = #tpu.dot_dimension_numbers<[1], [0], [0], [1], [0, 0, 1, 1], [], []>, precision = #tpu.contract_precision<fp32>, transpose_lhs_hint = false} : vector<64x16xf32>, vector<16x128xf32>, vector<64x128xf32> -> vector<64x128xf32>
    %add3A_678 = arith.constant 1.000000e-03 : f32
    %add3A_679 = vector.broadcast %add3A_678 : f32 to vector<64x128xf32>
    %add3A_680 = arith.addf %dot_general3A_677, %add3A_679 : vector<64x128xf32>
    %log3A_681 = math.log %add3A_680 : vector<64x128xf32>
    %mul3A_682 = arith.mulf %dot_general3A_677, %log3A_681 : vector<64x128xf32>
    %reduce_sum3A_683 = arith.constant dense<0.000000e+00> : vector<64xf32>
    %reduce_sum3A_684 = vector.multi_reduction <add>, %mul3A_682, %reduce_sum3A_683 [1] : vector<64x128xf32> to vector<64xf32>
    %broadcast_in_dim3A_685 = vector.shape_cast %reduce_sum3A_684 : vector<64xf32> to vector<64x1xf32>
    %neg3A_686 = arith.constant 0.000000e+00 : f32
    %neg3A_687 = vector.broadcast %neg3A_686 : f32 to vector<64x1xf32>
    %neg3A_688 = arith.subf %neg3A_687, %broadcast_in_dim3A_685 : vector<64x1xf32>
    %max3A_689 = arith.constant 0.000000e+00 : f32
    %max3A_690 = vector.broadcast %max3A_689 : f32 to vector<64x1xf32>
    %max3A_691 = arith.maximumf %neg3A_688, %max3A_690 : vector<64x1xf32>
    %add3A_692 = arith.constant 1.000000e+00 : f32
    %add3A_693 = vector.broadcast %add3A_692 : f32 to vector<64x1xf32>
    %add3A_694 = arith.addf %add3A_693, %max3A_691 : vector<64x1xf32>
    %div3A_695 = vector.broadcast %add3A_694 : vector<64x1xf32> to vector<64x128xf32>
    %div3A_696 = arith.divf %dot_general3A_677, %div3A_695 : vector<64x128xf32>
    %add3A_697 = arith.constant 1.000000e+00 : f32
    %add3A_698 = vector.broadcast %add3A_697 : f32 to vector<64x1xf32>
    %add3A_699 = arith.addf %add3A_698, %max3A_661 : vector<64x1xf32>
    %div3A_700 = vector.broadcast %add3A_699 : vector<64x1xf32> to vector<64x128xf32>
    %div3A_701 = arith.divf %div3A_647, %div3A_700 : vector<64x128xf32>
    %add3A_702 = arith.addf %div3A_696, %div3A_701 : vector<64x128xf32>
    %swap3A_703 = arith.constant 448 : index
    %swap3A_704 = arith.constant 0 : index
    %swap3A_705 = vector.load %arg5[%swap3A_703, %swap3A_704] : memref<512x128xf32, #tpu.memory_space<vmem>>, vector<64x128xf32>
    tpu.vector_store %arg5[%swap3A_703, %swap3A_704], %add3A_702 {strides = array<i32>} : memref<512x128xf32, #tpu.memory_space<vmem>>, vector<64x128xf32>,
    %iota3A_706 = tpu.iota {dimensions = array<i32: 0>} : vector<32x128xi32>
    %iota3A_707 = tpu.iota {dimensions = array<i32: 0>} : vector<16x128xi32>
    %iota3A_708 = tpu.iota {dimensions = array<i32: 1>} : vector<1x128xi32>
    %jit3A_709 = arith.constant 8 : i32
    %div3A_710 = vector.broadcast %jit3A_709 : i32 to vector<1x128xi32>
    %div3A_711 = arith.divsi %iota3A_708, %div3A_710 : vector<1x128xi32>
    %sign3A_712 = arith.constant 0 : i32
    %sign3A_713 = vector.broadcast %sign3A_712 : i32 to vector<1x128xi32>
    %sign3A_714 = arith.cmpi sgt, %iota3A_708, %sign3A_713 : vector<1x128xi32>
    %sign3A_715 = arith.extui %sign3A_714 : vector<1x128xi1> to vector<1x128xi32>
    %sign3A_716 = arith.constant 0 : i32
    %sign3A_717 = vector.broadcast %sign3A_716 : i32 to vector<1x128xi32>
    %sign3A_718 = arith.cmpi slt, %iota3A_708, %sign3A_717 : vector<1x128xi32>
    %sign3A_719 = arith.extui %sign3A_718 : vector<1x128xi1> to vector<1x128xi32>
    %sign3A_720 = arith.subi %sign3A_715, %sign3A_719 : vector<1x128xi32>
    %sign3A_721 = arith.constant 0 : i32
    %sign3A_722 = arith.cmpi sgt, %jit3A_709, %sign3A_721 : i32
    %sign3A_723 = arith.extui %sign3A_722 : i1 to i32
    %sign3A_724 = arith.constant 0 : i32
    %sign3A_725 = arith.cmpi slt, %jit3A_709, %sign3A_724 : i32
    %sign3A_726 = arith.extui %sign3A_725 : i1 to i32
    %sign3A_727 = arith.subi %sign3A_723, %sign3A_726 : i32
    %ne3A_728 = vector.broadcast %sign3A_727 : i32 to vector<1x128xi32>
    %ne3A_729 = arith.cmpi ne, %sign3A_720, %ne3A_728 : vector<1x128xi32>
    %rem3A_730 = vector.broadcast %jit3A_709 : i32 to vector<1x128xi32>
    %rem3A_731 = arith.remsi %iota3A_708, %rem3A_730 : vector<1x128xi32>
    %ne3A_732 = arith.constant 0 : i32
    %ne3A_733 = vector.broadcast %ne3A_732 : i32 to vector<1x128xi32>
    %ne3A_734 = arith.cmpi ne, %rem3A_731, %ne3A_733 : vector<1x128xi32>
    %and3A_735 = arith.andi %ne3A_729, %ne3A_734 : vector<1x128xi1>
    %sub3A_736 = arith.constant 1 : i32
    %sub3A_737 = vector.broadcast %sub3A_736 : i32 to vector<1x128xi32>
    %sub3A_738 = arith.subi %div3A_711, %sub3A_737 : vector<1x128xi32>
    %select_n3A_739 = arith.select %and3A_735, %sub3A_738, %div3A_711 : vector<1x128xi1>, vector<1x128xi32>
    %mul3A_740 = arith.constant 32 : i32
    %mul3A_741 = vector.broadcast %mul3A_740 : i32 to vector<1x128xi32>
    %mul3A_742 = arith.muli %select_n3A_739, %mul3A_741 : vector<1x128xi32>
    %broadcast_in_dim3A_743 = arith.constant 0 : i32
    %broadcast_in_dim3A_744 = vector.broadcast %broadcast_in_dim3A_743 : i32 to vector<16x128xi32>
    %broadcast_in_dim3A_745 = arith.constant 0.000000e+00 : f32
    %broadcast_in_dim3A_746 = vector.broadcast %broadcast_in_dim3A_745 : f32 to vector<1x128xf32>
    %scan3A = arith.constant 0xFF800000 : f32
    %scan3A_747 = arith.constant 1073741824 : i32
    %scan3A_748 = arith.constant 1 : i32
    %scan3A_749 = arith.constant 0 : i32
    %scan3A_750 = arith.constant 32 : i32
    %scan3A_751 = arith.addi %scan3A_749, %scan3A_750 : i32
    %scan3A_752 = arith.constant 1 : i32
    %scan3A_753:2 = scf.for %scan3A_772 = %scan3A_749 to %scan3A_751 step %scan3A_752 iter_args(%scan3A_773 = %broadcast_in_dim3A_744, %scan3A_774 = %broadcast_in_dim3A_746) -> (vector<16x128xi32>, vector<1x128xf32>)  : i32 {
      %broadcast_in_dim3A_775 = vector.broadcast %scan3A : f32 to vector<1x128xf32>
      %broadcast_in_dim3A_776 = vector.broadcast %scan3A_747 : i32 to vector<1x128xi32>
      %get3A_777 = arith.constant 0 : index
      %get3A_778 = arith.constant 0 : index
      %get3A_779 = vector.load %arg5[%get3A_777, %get3A_778] : memref<512x128xf32, #tpu.memory_space<vmem>>, vector<32x128xf32>
      %slice3A = vector.extract_strided_slice %scan3A_773 {offsets = [0, 0], sizes = [1, 128], strides = [1, 1]} : vector<16x128xi32> to vector<1x128xi32>
      %shift_right_arithmetic3A = vector.broadcast %slice3A : vector<1x128xi32> to vector<32x128xi32>
      %shift_right_arithmetic3A_780 = arith.shrsi %shift_right_arithmetic3A, %iota3A_706 : vector<32x128xi32>
      %and3A_781 = vector.broadcast %scan3A_748 : i32 to vector<32x128xi32>
      %and3A_782 = arith.andi %shift_right_arithmetic3A_780, %and3A_781 : vector<32x128xi32>
      %eq3A_783 = vector.broadcast %scan3A_748 : i32 to vector<32x128xi32>
      %eq3A_784 = arith.cmpi eq, %and3A_782, %eq3A_783 : vector<32x128xi32>
      %broadcast_in_dim3A_785 = vector.broadcast %scan3A : f32 to vector<32x128xf32>
      %select_n3A_786 = arith.select %eq3A_784, %broadcast_in_dim3A_785, %get3A_779 : vector<32x128xi1>, vector<32x128xf32>
      %reduce_max3A_787 = arith.constant dense<0xFF800000> : vector<128xf32>
      %reduce_max3A_788 = vector.multi_reduction <maximumf>, %select_n3A_786, %reduce_max3A_787 [0] : vector<32x128xf32> to vector<128xf32>
      %broadcast_in_dim3A_789 = vector.shape_cast %reduce_max3A_788 : vector<128xf32> to vector<1x128xf32>
      %eq3A_790 = vector.broadcast %broadcast_in_dim3A_789 : vector<1x128xf32> to vector<32x128xf32>
      %eq3A_791 = arith.cmpf oeq, %select_n3A_786, %eq3A_790 : vector<32x128xf32>
      %add3A_792 = arith.constant 0 : i32
      %add3A_793 = vector.broadcast %add3A_792 : i32 to vector<32x128xi32>
      %add3A_794 = arith.addi %iota3A_706, %add3A_793 : vector<32x128xi32>
      %broadcast_in_dim3A_795 = vector.broadcast %scan3A_747 : i32 to vector<32x128xi32>
      %select_n3A_796 = arith.select %eq3A_791, %add3A_794, %broadcast_in_dim3A_795 : vector<32x128xi1>, vector<32x128xi32>
      %reduce_min3A = arith.constant dense<2147483647> : vector<128xi32>
      %reduce_min3A_797 = vector.multi_reduction <minsi>, %select_n3A_796, %reduce_min3A [0] : vector<32x128xi32> to vector<128xi32>
      %broadcast_in_dim3A_798 = vector.shape_cast %reduce_min3A_797 : vector<128xi32> to vector<1x128xi32>
      %gt3A = arith.cmpf ogt, %broadcast_in_dim3A_789, %broadcast_in_dim3A_775 : vector<1x128xf32>
      %select_n3A_799 = arith.select %gt3A, %broadcast_in_dim3A_798, %broadcast_in_dim3A_776 : vector<1x128xi1>, vector<1x128xi32>
      %select_n3A_800 = arith.select %gt3A, %broadcast_in_dim3A_789, %broadcast_in_dim3A_775 : vector<1x128xi1>, vector<1x128xf32>
      %get3A_801 = arith.constant 32 : index
      %get3A_802 = arith.constant 0 : index
      %get3A_803 = vector.load %arg5[%get3A_801, %get3A_802] : memref<512x128xf32, #tpu.memory_space<vmem>>, vector<32x128xf32>
      %slice3A_804 = vector.extract_strided_slice %scan3A_773 {offsets = [1, 0], sizes = [1, 128], strides = [1, 1]} : vector<16x128xi32> to vector<1x128xi32>
      %shift_right_arithmetic3A_805 = vector.broadcast %slice3A_804 : vector<1x128xi32> to vector<32x128xi32>
      %shift_right_arithmetic3A_806 = arith.shrsi %shift_right_arithmetic3A_805, %iota3A_706 : vector<32x128xi32>
      %and3A_807 = vector.broadcast %scan3A_748 : i32 to vector<32x128xi32>
      %and3A_808 = arith.andi %shift_right_arithmetic3A_806, %and3A_807 : vector<32x128xi32>
      %eq3A_809 = vector.broadcast %scan3A_748 : i32 to vector<32x128xi32>
      %eq3A_810 = arith.cmpi eq, %and3A_808, %eq3A_809 : vector<32x128xi32>
      %broadcast_in_dim3A_811 = vector.broadcast %scan3A : f32 to vector<32x128xf32>
      %select_n3A_812 = arith.select %eq3A_810, %broadcast_in_dim3A_811, %get3A_803 : vector<32x128xi1>, vector<32x128xf32>
      %reduce_max3A_813 = arith.constant dense<0xFF800000> : vector<128xf32>
      %reduce_max3A_814 = vector.multi_reduction <maximumf>, %select_n3A_812, %reduce_max3A_813 [0] : vector<32x128xf32> to vector<128xf32>
      %broadcast_in_dim3A_815 = vector.shape_cast %reduce_max3A_814 : vector<128xf32> to vector<1x128xf32>
      %eq3A_816 = vector.broadcast %broadcast_in_dim3A_815 : vector<1x128xf32> to vector<32x128xf32>
      %eq3A_817 = arith.cmpf oeq, %select_n3A_812, %eq3A_816 : vector<32x128xf32>
      %add3A_818 = arith.constant 32 : i32
      %add3A_819 = vector.broadcast %add3A_818 : i32 to vector<32x128xi32>
      %add3A_820 = arith.addi %iota3A_706, %add3A_819 : vector<32x128xi32>
      %broadcast_in_dim3A_821 = vector.broadcast %scan3A_747 : i32 to vector<32x128xi32>
      %select_n3A_822 = arith.select %eq3A_817, %add3A_820, %broadcast_in_dim3A_821 : vector<32x128xi1>, vector<32x128xi32>
      %reduce_min3A_823 = arith.constant dense<2147483647> : vector<128xi32>
      %reduce_min3A_824 = vector.multi_reduction <minsi>, %select_n3A_822, %reduce_min3A_823 [0] : vector<32x128xi32> to vector<128xi32>
      %broadcast_in_dim3A_825 = vector.shape_cast %reduce_min3A_824 : vector<128xi32> to vector<1x128xi32>
      %gt3A_826 = arith.cmpf ogt, %broadcast_in_dim3A_815, %select_n3A_800 : vector<1x128xf32>
      %select_n3A_827 = arith.select %gt3A_826, %broadcast_in_dim3A_825, %select_n3A_799 : vector<1x128xi1>, vector<1x128xi32>
      %select_n3A_828 = arith.select %gt3A_826, %broadcast_in_dim3A_815, %select_n3A_800 : vector<1x128xi1>, vector<1x128xf32>
      %get3A_829 = arith.constant 64 : index
      %get3A_830 = arith.constant 0 : index
      %get3A_831 = vector.load %arg5[%get3A_829, %get3A_830] : memref<512x128xf32, #tpu.memory_space<vmem>>, vector<32x128xf32>
      %slice3A_832 = vector.extract_strided_slice %scan3A_773 {offsets = [2, 0], sizes = [1, 128], strides = [1, 1]} : vector<16x128xi32> to vector<1x128xi32>
      %shift_right_arithmetic3A_833 = vector.broadcast %slice3A_832 : vector<1x128xi32> to vector<32x128xi32>
      %shift_right_arithmetic3A_834 = arith.shrsi %shift_right_arithmetic3A_833, %iota3A_706 : vector<32x128xi32>
      %and3A_835 = vector.broadcast %scan3A_748 : i32 to vector<32x128xi32>
      %and3A_836 = arith.andi %shift_right_arithmetic3A_834, %and3A_835 : vector<32x128xi32>
      %eq3A_837 = vector.broadcast %scan3A_748 : i32 to vector<32x128xi32>
      %eq3A_838 = arith.cmpi eq, %and3A_836, %eq3A_837 : vector<32x128xi32>
      %broadcast_in_dim3A_839 = vector.broadcast %scan3A : f32 to vector<32x128xf32>
      %select_n3A_840 = arith.select %eq3A_838, %broadcast_in_dim3A_839, %get3A_831 : vector<32x128xi1>, vector<32x128xf32>
      %reduce_max3A_841 = arith.constant dense<0xFF800000> : vector<128xf32>
      %reduce_max3A_842 = vector.multi_reduction <maximumf>, %select_n3A_840, %reduce_max3A_841 [0] : vector<32x128xf32> to vector<128xf32>
      %broadcast_in_dim3A_843 = vector.shape_cast %reduce_max3A_842 : vector<128xf32> to vector<1x128xf32>
      %eq3A_844 = vector.broadcast %broadcast_in_dim3A_843 : vector<1x128xf32> to vector<32x128xf32>
      %eq3A_845 = arith.cmpf oeq, %select_n3A_840, %eq3A_844 : vector<32x128xf32>
      %add3A_846 = arith.constant 64 : i32
      %add3A_847 = vector.broadcast %add3A_846 : i32 to vector<32x128xi32>
      %add3A_848 = arith.addi %iota3A_706, %add3A_847 : vector<32x128xi32>
      %broadcast_in_dim3A_849 = vector.broadcast %scan3A_747 : i32 to vector<32x128xi32>
      %select_n3A_850 = arith.select %eq3A_845, %add3A_848, %broadcast_in_dim3A_849 : vector<32x128xi1>, vector<32x128xi32>
      %reduce_min3A_851 = arith.constant dense<2147483647> : vector<128xi32>
      %reduce_min3A_852 = vector.multi_reduction <minsi>, %select_n3A_850, %reduce_min3A_851 [0] : vector<32x128xi32> to vector<128xi32>
      %broadcast_in_dim3A_853 = vector.shape_cast %reduce_min3A_852 : vector<128xi32> to vector<1x128xi32>
      %gt3A_854 = arith.cmpf ogt, %broadcast_in_dim3A_843, %select_n3A_828 : vector<1x128xf32>
      %select_n3A_855 = arith.select %gt3A_854, %broadcast_in_dim3A_853, %select_n3A_827 : vector<1x128xi1>, vector<1x128xi32>
      %select_n3A_856 = arith.select %gt3A_854, %broadcast_in_dim3A_843, %select_n3A_828 : vector<1x128xi1>, vector<1x128xf32>
      %get3A_857 = arith.constant 96 : index
      %get3A_858 = arith.constant 0 : index
      %get3A_859 = vector.load %arg5[%get3A_857, %get3A_858] : memref<512x128xf32, #tpu.memory_space<vmem>>, vector<32x128xf32>
      %slice3A_860 = vector.extract_strided_slice %scan3A_773 {offsets = [3, 0], sizes = [1, 128], strides = [1, 1]} : vector<16x128xi32> to vector<1x128xi32>
      %shift_right_arithmetic3A_861 = vector.broadcast %slice3A_860 : vector<1x128xi32> to vector<32x128xi32>
      %shift_right_arithmetic3A_862 = arith.shrsi %shift_right_arithmetic3A_861, %iota3A_706 : vector<32x128xi32>
      %and3A_863 = vector.broadcast %scan3A_748 : i32 to vector<32x128xi32>
      %and3A_864 = arith.andi %shift_right_arithmetic3A_862, %and3A_863 : vector<32x128xi32>
      %eq3A_865 = vector.broadcast %scan3A_748 : i32 to vector<32x128xi32>
      %eq3A_866 = arith.cmpi eq, %and3A_864, %eq3A_865 : vector<32x128xi32>
      %broadcast_in_dim3A_867 = vector.broadcast %scan3A : f32 to vector<32x128xf32>
      %select_n3A_868 = arith.select %eq3A_866, %broadcast_in_dim3A_867, %get3A_859 : vector<32x128xi1>, vector<32x128xf32>
      %reduce_max3A_869 = arith.constant dense<0xFF800000> : vector<128xf32>
      %reduce_max3A_870 = vector.multi_reduction <maximumf>, %select_n3A_868, %reduce_max3A_869 [0] : vector<32x128xf32> to vector<128xf32>
      %broadcast_in_dim3A_871 = vector.shape_cast %reduce_max3A_870 : vector<128xf32> to vector<1x128xf32>
      %eq3A_872 = vector.broadcast %broadcast_in_dim3A_871 : vector<1x128xf32> to vector<32x128xf32>
      %eq3A_873 = arith.cmpf oeq, %select_n3A_868, %eq3A_872 : vector<32x128xf32>
      %add3A_874 = arith.constant 96 : i32
      %add3A_875 = vector.broadcast %add3A_874 : i32 to vector<32x128xi32>
      %add3A_876 = arith.addi %iota3A_706, %add3A_875 : vector<32x128xi32>
      %broadcast_in_dim3A_877 = vector.broadcast %scan3A_747 : i32 to vector<32x128xi32>
      %select_n3A_878 = arith.select %eq3A_873, %add3A_876, %broadcast_in_dim3A_877 : vector<32x128xi1>, vector<32x128xi32>
      %reduce_min3A_879 = arith.constant dense<2147483647> : vector<128xi32>
      %reduce_min3A_880 = vector.multi_reduction <minsi>, %select_n3A_878, %reduce_min3A_879 [0] : vector<32x128xi32> to vector<128xi32>
      %broadcast_in_dim3A_881 = vector.shape_cast %reduce_min3A_880 : vector<128xi32> to vector<1x128xi32>
      %gt3A_882 = arith.cmpf ogt, %broadcast_in_dim3A_871, %select_n3A_856 : vector<1x128xf32>
      %select_n3A_883 = arith.select %gt3A_882, %broadcast_in_dim3A_881, %select_n3A_855 : vector<1x128xi1>, vector<1x128xi32>
      %select_n3A_884 = arith.select %gt3A_882, %broadcast_in_dim3A_871, %select_n3A_856 : vector<1x128xi1>, vector<1x128xf32>
      %get3A_885 = arith.constant 128 : index
      %get3A_886 = arith.constant 0 : index
      %get3A_887 = vector.load %arg5[%get3A_885, %get3A_886] : memref<512x128xf32, #tpu.memory_space<vmem>>, vector<32x128xf32>
      %slice3A_888 = vector.extract_strided_slice %scan3A_773 {offsets = [4, 0], sizes = [1, 128], strides = [1, 1]} : vector<16x128xi32> to vector<1x128xi32>
      %shift_right_arithmetic3A_889 = vector.broadcast %slice3A_888 : vector<1x128xi32> to vector<32x128xi32>
      %shift_right_arithmetic3A_890 = arith.shrsi %shift_right_arithmetic3A_889, %iota3A_706 : vector<32x128xi32>
      %and3A_891 = vector.broadcast %scan3A_748 : i32 to vector<32x128xi32>
      %and3A_892 = arith.andi %shift_right_arithmetic3A_890, %and3A_891 : vector<32x128xi32>
      %eq3A_893 = vector.broadcast %scan3A_748 : i32 to vector<32x128xi32>
      %eq3A_894 = arith.cmpi eq, %and3A_892, %eq3A_893 : vector<32x128xi32>
      %broadcast_in_dim3A_895 = vector.broadcast %scan3A : f32 to vector<32x128xf32>
      %select_n3A_896 = arith.select %eq3A_894, %broadcast_in_dim3A_895, %get3A_887 : vector<32x128xi1>, vector<32x128xf32>
      %reduce_max3A_897 = arith.constant dense<0xFF800000> : vector<128xf32>
      %reduce_max3A_898 = vector.multi_reduction <maximumf>, %select_n3A_896, %reduce_max3A_897 [0] : vector<32x128xf32> to vector<128xf32>
      %broadcast_in_dim3A_899 = vector.shape_cast %reduce_max3A_898 : vector<128xf32> to vector<1x128xf32>
      %eq3A_900 = vector.broadcast %broadcast_in_dim3A_899 : vector<1x128xf32> to vector<32x128xf32>
      %eq3A_901 = arith.cmpf oeq, %select_n3A_896, %eq3A_900 : vector<32x128xf32>
      %add3A_902 = arith.constant 128 : i32
      %add3A_903 = vector.broadcast %add3A_902 : i32 to vector<32x128xi32>
      %add3A_904 = arith.addi %iota3A_706, %add3A_903 : vector<32x128xi32>
      %broadcast_in_dim3A_905 = vector.broadcast %scan3A_747 : i32 to vector<32x128xi32>
      %select_n3A_906 = arith.select %eq3A_901, %add3A_904, %broadcast_in_dim3A_905 : vector<32x128xi1>, vector<32x128xi32>
      %reduce_min3A_907 = arith.constant dense<2147483647> : vector<128xi32>
      %reduce_min3A_908 = vector.multi_reduction <minsi>, %select_n3A_906, %reduce_min3A_907 [0] : vector<32x128xi32> to vector<128xi32>
      %broadcast_in_dim3A_909 = vector.shape_cast %reduce_min3A_908 : vector<128xi32> to vector<1x128xi32>
      %gt3A_910 = arith.cmpf ogt, %broadcast_in_dim3A_899, %select_n3A_884 : vector<1x128xf32>
      %select_n3A_911 = arith.select %gt3A_910, %broadcast_in_dim3A_909, %select_n3A_883 : vector<1x128xi1>, vector<1x128xi32>
      %select_n3A_912 = arith.select %gt3A_910, %broadcast_in_dim3A_899, %select_n3A_884 : vector<1x128xi1>, vector<1x128xf32>
      %get3A_913 = arith.constant 160 : index
      %get3A_914 = arith.constant 0 : index
      %get3A_915 = vector.load %arg5[%get3A_913, %get3A_914] : memref<512x128xf32, #tpu.memory_space<vmem>>, vector<32x128xf32>
      %slice3A_916 = vector.extract_strided_slice %scan3A_773 {offsets = [5, 0], sizes = [1, 128], strides = [1, 1]} : vector<16x128xi32> to vector<1x128xi32>
      %shift_right_arithmetic3A_917 = vector.broadcast %slice3A_916 : vector<1x128xi32> to vector<32x128xi32>
      %shift_right_arithmetic3A_918 = arith.shrsi %shift_right_arithmetic3A_917, %iota3A_706 : vector<32x128xi32>
      %and3A_919 = vector.broadcast %scan3A_748 : i32 to vector<32x128xi32>
      %and3A_920 = arith.andi %shift_right_arithmetic3A_918, %and3A_919 : vector<32x128xi32>
      %eq3A_921 = vector.broadcast %scan3A_748 : i32 to vector<32x128xi32>
      %eq3A_922 = arith.cmpi eq, %and3A_920, %eq3A_921 : vector<32x128xi32>
      %broadcast_in_dim3A_923 = vector.broadcast %scan3A : f32 to vector<32x128xf32>
      %select_n3A_924 = arith.select %eq3A_922, %broadcast_in_dim3A_923, %get3A_915 : vector<32x128xi1>, vector<32x128xf32>
      %reduce_max3A_925 = arith.constant dense<0xFF800000> : vector<128xf32>
      %reduce_max3A_926 = vector.multi_reduction <maximumf>, %select_n3A_924, %reduce_max3A_925 [0] : vector<32x128xf32> to vector<128xf32>
      %broadcast_in_dim3A_927 = vector.shape_cast %reduce_max3A_926 : vector<128xf32> to vector<1x128xf32>
      %eq3A_928 = vector.broadcast %broadcast_in_dim3A_927 : vector<1x128xf32> to vector<32x128xf32>
      %eq3A_929 = arith.cmpf oeq, %select_n3A_924, %eq3A_928 : vector<32x128xf32>
      %add3A_930 = arith.constant 160 : i32
      %add3A_931 = vector.broadcast %add3A_930 : i32 to vector<32x128xi32>
      %add3A_932 = arith.addi %iota3A_706, %add3A_931 : vector<32x128xi32>
      %broadcast_in_dim3A_933 = vector.broadcast %scan3A_747 : i32 to vector<32x128xi32>
      %select_n3A_934 = arith.select %eq3A_929, %add3A_932, %broadcast_in_dim3A_933 : vector<32x128xi1>, vector<32x128xi32>
      %reduce_min3A_935 = arith.constant dense<2147483647> : vector<128xi32>
      %reduce_min3A_936 = vector.multi_reduction <minsi>, %select_n3A_934, %reduce_min3A_935 [0] : vector<32x128xi32> to vector<128xi32>
      %broadcast_in_dim3A_937 = vector.shape_cast %reduce_min3A_936 : vector<128xi32> to vector<1x128xi32>
      %gt3A_938 = arith.cmpf ogt, %broadcast_in_dim3A_927, %select_n3A_912 : vector<1x128xf32>
      %select_n3A_939 = arith.select %gt3A_938, %broadcast_in_dim3A_937, %select_n3A_911 : vector<1x128xi1>, vector<1x128xi32>
      %select_n3A_940 = arith.select %gt3A_938, %broadcast_in_dim3A_927, %select_n3A_912 : vector<1x128xi1>, vector<1x128xf32>
      %get3A_941 = arith.constant 192 : index
      %get3A_942 = arith.constant 0 : index
      %get3A_943 = vector.load %arg5[%get3A_941, %get3A_942] : memref<512x128xf32, #tpu.memory_space<vmem>>, vector<32x128xf32>
      %slice3A_944 = vector.extract_strided_slice %scan3A_773 {offsets = [6, 0], sizes = [1, 128], strides = [1, 1]} : vector<16x128xi32> to vector<1x128xi32>
      %shift_right_arithmetic3A_945 = vector.broadcast %slice3A_944 : vector<1x128xi32> to vector<32x128xi32>
      %shift_right_arithmetic3A_946 = arith.shrsi %shift_right_arithmetic3A_945, %iota3A_706 : vector<32x128xi32>
      %and3A_947 = vector.broadcast %scan3A_748 : i32 to vector<32x128xi32>
      %and3A_948 = arith.andi %shift_right_arithmetic3A_946, %and3A_947 : vector<32x128xi32>
      %eq3A_949 = vector.broadcast %scan3A_748 : i32 to vector<32x128xi32>
      %eq3A_950 = arith.cmpi eq, %and3A_948, %eq3A_949 : vector<32x128xi32>
      %broadcast_in_dim3A_951 = vector.broadcast %scan3A : f32 to vector<32x128xf32>
      %select_n3A_952 = arith.select %eq3A_950, %broadcast_in_dim3A_951, %get3A_943 : vector<32x128xi1>, vector<32x128xf32>
      %reduce_max3A_953 = arith.constant dense<0xFF800000> : vector<128xf32>
      %reduce_max3A_954 = vector.multi_reduction <maximumf>, %select_n3A_952, %reduce_max3A_953 [0] : vector<32x128xf32> to vector<128xf32>
      %broadcast_in_dim3A_955 = vector.shape_cast %reduce_max3A_954 : vector<128xf32> to vector<1x128xf32>
      %eq3A_956 = vector.broadcast %broadcast_in_dim3A_955 : vector<1x128xf32> to vector<32x128xf32>
      %eq3A_957 = arith.cmpf oeq, %select_n3A_952, %eq3A_956 : vector<32x128xf32>
      %add3A_958 = arith.constant 192 : i32
      %add3A_959 = vector.broadcast %add3A_958 : i32 to vector<32x128xi32>
      %add3A_960 = arith.addi %iota3A_706, %add3A_959 : vector<32x128xi32>
      %broadcast_in_dim3A_961 = vector.broadcast %scan3A_747 : i32 to vector<32x128xi32>
      %select_n3A_962 = arith.select %eq3A_957, %add3A_960, %broadcast_in_dim3A_961 : vector<32x128xi1>, vector<32x128xi32>
      %reduce_min3A_963 = arith.constant dense<2147483647> : vector<128xi32>
      %reduce_min3A_964 = vector.multi_reduction <minsi>, %select_n3A_962, %reduce_min3A_963 [0] : vector<32x128xi32> to vector<128xi32>
      %broadcast_in_dim3A_965 = vector.shape_cast %reduce_min3A_964 : vector<128xi32> to vector<1x128xi32>
      %gt3A_966 = arith.cmpf ogt, %broadcast_in_dim3A_955, %select_n3A_940 : vector<1x128xf32>
      %select_n3A_967 = arith.select %gt3A_966, %broadcast_in_dim3A_965, %select_n3A_939 : vector<1x128xi1>, vector<1x128xi32>
      %select_n3A_968 = arith.select %gt3A_966, %broadcast_in_dim3A_955, %select_n3A_940 : vector<1x128xi1>, vector<1x128xf32>
      %get3A_969 = arith.constant 224 : index
      %get3A_970 = arith.constant 0 : index
      %get3A_971 = vector.load %arg5[%get3A_969, %get3A_970] : memref<512x128xf32, #tpu.memory_space<vmem>>, vector<32x128xf32>
      %slice3A_972 = vector.extract_strided_slice %scan3A_773 {offsets = [7, 0], sizes = [1, 128], strides = [1, 1]} : vector<16x128xi32> to vector<1x128xi32>
      %shift_right_arithmetic3A_973 = vector.broadcast %slice3A_972 : vector<1x128xi32> to vector<32x128xi32>
      %shift_right_arithmetic3A_974 = arith.shrsi %shift_right_arithmetic3A_973, %iota3A_706 : vector<32x128xi32>
      %and3A_975 = vector.broadcast %scan3A_748 : i32 to vector<32x128xi32>
      %and3A_976 = arith.andi %shift_right_arithmetic3A_974, %and3A_975 : vector<32x128xi32>
      %eq3A_977 = vector.broadcast %scan3A_748 : i32 to vector<32x128xi32>
      %eq3A_978 = arith.cmpi eq, %and3A_976, %eq3A_977 : vector<32x128xi32>
      %broadcast_in_dim3A_979 = vector.broadcast %scan3A : f32 to vector<32x128xf32>
      %select_n3A_980 = arith.select %eq3A_978, %broadcast_in_dim3A_979, %get3A_971 : vector<32x128xi1>, vector<32x128xf32>
      %reduce_max3A_981 = arith.constant dense<0xFF800000> : vector<128xf32>
      %reduce_max3A_982 = vector.multi_reduction <maximumf>, %select_n3A_980, %reduce_max3A_981 [0] : vector<32x128xf32> to vector<128xf32>
      %broadcast_in_dim3A_983 = vector.shape_cast %reduce_max3A_982 : vector<128xf32> to vector<1x128xf32>
      %eq3A_984 = vector.broadcast %broadcast_in_dim3A_983 : vector<1x128xf32> to vector<32x128xf32>
      %eq3A_985 = arith.cmpf oeq, %select_n3A_980, %eq3A_984 : vector<32x128xf32>
      %add3A_986 = arith.constant 224 : i32
      %add3A_987 = vector.broadcast %add3A_986 : i32 to vector<32x128xi32>
      %add3A_988 = arith.addi %iota3A_706, %add3A_987 : vector<32x128xi32>
      %broadcast_in_dim3A_989 = vector.broadcast %scan3A_747 : i32 to vector<32x128xi32>
      %select_n3A_990 = arith.select %eq3A_985, %add3A_988, %broadcast_in_dim3A_989 : vector<32x128xi1>, vector<32x128xi32>
      %reduce_min3A_991 = arith.constant dense<2147483647> : vector<128xi32>
      %reduce_min3A_992 = vector.multi_reduction <minsi>, %select_n3A_990, %reduce_min3A_991 [0] : vector<32x128xi32> to vector<128xi32>
      %broadcast_in_dim3A_993 = vector.shape_cast %reduce_min3A_992 : vector<128xi32> to vector<1x128xi32>
      %gt3A_994 = arith.cmpf ogt, %broadcast_in_dim3A_983, %select_n3A_968 : vector<1x128xf32>
      %select_n3A_995 = arith.select %gt3A_994, %broadcast_in_dim3A_993, %select_n3A_967 : vector<1x128xi1>, vector<1x128xi32>
      %select_n3A_996 = arith.select %gt3A_994, %broadcast_in_dim3A_983, %select_n3A_968 : vector<1x128xi1>, vector<1x128xf32>
      %get3A_997 = arith.constant 256 : index
      %get3A_998 = arith.constant 0 : index
      %get3A_999 = vector.load %arg5[%get3A_997, %get3A_998] : memref<512x128xf32, #tpu.memory_space<vmem>>, vector<32x128xf32>
      %slice3A_1000 = vector.extract_strided_slice %scan3A_773 {offsets = [8, 0], sizes = [1, 128], strides = [1, 1]} : vector<16x128xi32> to vector<1x128xi32>
      %shift_right_arithmetic3A_1001 = vector.broadcast %slice3A_1000 : vector<1x128xi32> to vector<32x128xi32>
      %shift_right_arithmetic3A_1002 = arith.shrsi %shift_right_arithmetic3A_1001, %iota3A_706 : vector<32x128xi32>
      %and3A_1003 = vector.broadcast %scan3A_748 : i32 to vector<32x128xi32>
      %and3A_1004 = arith.andi %shift_right_arithmetic3A_1002, %and3A_1003 : vector<32x128xi32>
      %eq3A_1005 = vector.broadcast %scan3A_748 : i32 to vector<32x128xi32>
      %eq3A_1006 = arith.cmpi eq, %and3A_1004, %eq3A_1005 : vector<32x128xi32>
      %broadcast_in_dim3A_1007 = vector.broadcast %scan3A : f32 to vector<32x128xf32>
      %select_n3A_1008 = arith.select %eq3A_1006, %broadcast_in_dim3A_1007, %get3A_999 : vector<32x128xi1>, vector<32x128xf32>
      %reduce_max3A_1009 = arith.constant dense<0xFF800000> : vector<128xf32>
      %reduce_max3A_1010 = vector.multi_reduction <maximumf>, %select_n3A_1008, %reduce_max3A_1009 [0] : vector<32x128xf32> to vector<128xf32>
      %broadcast_in_dim3A_1011 = vector.shape_cast %reduce_max3A_1010 : vector<128xf32> to vector<1x128xf32>
      %eq3A_1012 = vector.broadcast %broadcast_in_dim3A_1011 : vector<1x128xf32> to vector<32x128xf32>
      %eq3A_1013 = arith.cmpf oeq, %select_n3A_1008, %eq3A_1012 : vector<32x128xf32>
      %add3A_1014 = arith.constant 256 : i32
      %add3A_1015 = vector.broadcast %add3A_1014 : i32 to vector<32x128xi32>
      %add3A_1016 = arith.addi %iota3A_706, %add3A_1015 : vector<32x128xi32>
      %broadcast_in_dim3A_1017 = vector.broadcast %scan3A_747 : i32 to vector<32x128xi32>
      %select_n3A_1018 = arith.select %eq3A_1013, %add3A_1016, %broadcast_in_dim3A_1017 : vector<32x128xi1>, vector<32x128xi32>
      %reduce_min3A_1019 = arith.constant dense<2147483647> : vector<128xi32>
      %reduce_min3A_1020 = vector.multi_reduction <minsi>, %select_n3A_1018, %reduce_min3A_1019 [0] : vector<32x128xi32> to vector<128xi32>
      %broadcast_in_dim3A_1021 = vector.shape_cast %reduce_min3A_1020 : vector<128xi32> to vector<1x128xi32>
      %gt3A_1022 = arith.cmpf ogt, %broadcast_in_dim3A_1011, %select_n3A_996 : vector<1x128xf32>
      %select_n3A_1023 = arith.select %gt3A_1022, %broadcast_in_dim3A_1021, %select_n3A_995 : vector<1x128xi1>, vector<1x128xi32>
      %select_n3A_1024 = arith.select %gt3A_1022, %broadcast_in_dim3A_1011, %select_n3A_996 : vector<1x128xi1>, vector<1x128xf32>
      %get3A_1025 = arith.constant 288 : index
      %get3A_1026 = arith.constant 0 : index
      %get3A_1027 = vector.load %arg5[%get3A_1025, %get3A_1026] : memref<512x128xf32, #tpu.memory_space<vmem>>, vector<32x128xf32>
      %slice3A_1028 = vector.extract_strided_slice %scan3A_773 {offsets = [9, 0], sizes = [1, 128], strides = [1, 1]} : vector<16x128xi32> to vector<1x128xi32>
      %shift_right_arithmetic3A_1029 = vector.broadcast %slice3A_1028 : vector<1x128xi32> to vector<32x128xi32>
      %shift_right_arithmetic3A_1030 = arith.shrsi %shift_right_arithmetic3A_1029, %iota3A_706 : vector<32x128xi32>
      %and3A_1031 = vector.broadcast %scan3A_748 : i32 to vector<32x128xi32>
      %and3A_1032 = arith.andi %shift_right_arithmetic3A_1030, %and3A_1031 : vector<32x128xi32>
      %eq3A_1033 = vector.broadcast %scan3A_748 : i32 to vector<32x128xi32>
      %eq3A_1034 = arith.cmpi eq, %and3A_1032, %eq3A_1033 : vector<32x128xi32>
      %broadcast_in_dim3A_1035 = vector.broadcast %scan3A : f32 to vector<32x128xf32>
      %select_n3A_1036 = arith.select %eq3A_1034, %broadcast_in_dim3A_1035, %get3A_1027 : vector<32x128xi1>, vector<32x128xf32>
      %reduce_max3A_1037 = arith.constant dense<0xFF800000> : vector<128xf32>
      %reduce_max3A_1038 = vector.multi_reduction <maximumf>, %select_n3A_1036, %reduce_max3A_1037 [0] : vector<32x128xf32> to vector<128xf32>
      %broadcast_in_dim3A_1039 = vector.shape_cast %reduce_max3A_1038 : vector<128xf32> to vector<1x128xf32>
      %eq3A_1040 = vector.broadcast %broadcast_in_dim3A_1039 : vector<1x128xf32> to vector<32x128xf32>
      %eq3A_1041 = arith.cmpf oeq, %select_n3A_1036, %eq3A_1040 : vector<32x128xf32>
      %add3A_1042 = arith.constant 288 : i32
      %add3A_1043 = vector.broadcast %add3A_1042 : i32 to vector<32x128xi32>
      %add3A_1044 = arith.addi %iota3A_706, %add3A_1043 : vector<32x128xi32>
      %broadcast_in_dim3A_1045 = vector.broadcast %scan3A_747 : i32 to vector<32x128xi32>
      %select_n3A_1046 = arith.select %eq3A_1041, %add3A_1044, %broadcast_in_dim3A_1045 : vector<32x128xi1>, vector<32x128xi32>
      %reduce_min3A_1047 = arith.constant dense<2147483647> : vector<128xi32>
      %reduce_min3A_1048 = vector.multi_reduction <minsi>, %select_n3A_1046, %reduce_min3A_1047 [0] : vector<32x128xi32> to vector<128xi32>
      %broadcast_in_dim3A_1049 = vector.shape_cast %reduce_min3A_1048 : vector<128xi32> to vector<1x128xi32>
      %gt3A_1050 = arith.cmpf ogt, %broadcast_in_dim3A_1039, %select_n3A_1024 : vector<1x128xf32>
      %select_n3A_1051 = arith.select %gt3A_1050, %broadcast_in_dim3A_1049, %select_n3A_1023 : vector<1x128xi1>, vector<1x128xi32>
      %select_n3A_1052 = arith.select %gt3A_1050, %broadcast_in_dim3A_1039, %select_n3A_1024 : vector<1x128xi1>, vector<1x128xf32>
      %get3A_1053 = arith.constant 320 : index
      %get3A_1054 = arith.constant 0 : index
      %get3A_1055 = vector.load %arg5[%get3A_1053, %get3A_1054] : memref<512x128xf32, #tpu.memory_space<vmem>>, vector<32x128xf32>
      %slice3A_1056 = vector.extract_strided_slice %scan3A_773 {offsets = [10, 0], sizes = [1, 128], strides = [1, 1]} : vector<16x128xi32> to vector<1x128xi32>
      %shift_right_arithmetic3A_1057 = vector.broadcast %slice3A_1056 : vector<1x128xi32> to vector<32x128xi32>
      %shift_right_arithmetic3A_1058 = arith.shrsi %shift_right_arithmetic3A_1057, %iota3A_706 : vector<32x128xi32>
      %and3A_1059 = vector.broadcast %scan3A_748 : i32 to vector<32x128xi32>
      %and3A_1060 = arith.andi %shift_right_arithmetic3A_1058, %and3A_1059 : vector<32x128xi32>
      %eq3A_1061 = vector.broadcast %scan3A_748 : i32 to vector<32x128xi32>
      %eq3A_1062 = arith.cmpi eq, %and3A_1060, %eq3A_1061 : vector<32x128xi32>
      %broadcast_in_dim3A_1063 = vector.broadcast %scan3A : f32 to vector<32x128xf32>
      %select_n3A_1064 = arith.select %eq3A_1062, %broadcast_in_dim3A_1063, %get3A_1055 : vector<32x128xi1>, vector<32x128xf32>
      %reduce_max3A_1065 = arith.constant dense<0xFF800000> : vector<128xf32>
      %reduce_max3A_1066 = vector.multi_reduction <maximumf>, %select_n3A_1064, %reduce_max3A_1065 [0] : vector<32x128xf32> to vector<128xf32>
      %broadcast_in_dim3A_1067 = vector.shape_cast %reduce_max3A_1066 : vector<128xf32> to vector<1x128xf32>
      %eq3A_1068 = vector.broadcast %broadcast_in_dim3A_1067 : vector<1x128xf32> to vector<32x128xf32>
      %eq3A_1069 = arith.cmpf oeq, %select_n3A_1064, %eq3A_1068 : vector<32x128xf32>
      %add3A_1070 = arith.constant 320 : i32
      %add3A_1071 = vector.broadcast %add3A_1070 : i32 to vector<32x128xi32>
      %add3A_1072 = arith.addi %iota3A_706, %add3A_1071 : vector<32x128xi32>
      %broadcast_in_dim3A_1073 = vector.broadcast %scan3A_747 : i32 to vector<32x128xi32>
      %select_n3A_1074 = arith.select %eq3A_1069, %add3A_1072, %broadcast_in_dim3A_1073 : vector<32x128xi1>, vector<32x128xi32>
      %reduce_min3A_1075 = arith.constant dense<2147483647> : vector<128xi32>
      %reduce_min3A_1076 = vector.multi_reduction <minsi>, %select_n3A_1074, %reduce_min3A_1075 [0] : vector<32x128xi32> to vector<128xi32>
      %broadcast_in_dim3A_1077 = vector.shape_cast %reduce_min3A_1076 : vector<128xi32> to vector<1x128xi32>
      %gt3A_1078 = arith.cmpf ogt, %broadcast_in_dim3A_1067, %select_n3A_1052 : vector<1x128xf32>
      %select_n3A_1079 = arith.select %gt3A_1078, %broadcast_in_dim3A_1077, %select_n3A_1051 : vector<1x128xi1>, vector<1x128xi32>
      %select_n3A_1080 = arith.select %gt3A_1078, %broadcast_in_dim3A_1067, %select_n3A_1052 : vector<1x128xi1>, vector<1x128xf32>
      %get3A_1081 = arith.constant 352 : index
      %get3A_1082 = arith.constant 0 : index
      %get3A_1083 = vector.load %arg5[%get3A_1081, %get3A_1082] : memref<512x128xf32, #tpu.memory_space<vmem>>, vector<32x128xf32>
      %slice3A_1084 = vector.extract_strided_slice %scan3A_773 {offsets = [11, 0], sizes = [1, 128], strides = [1, 1]} : vector<16x128xi32> to vector<1x128xi32>
      %shift_right_arithmetic3A_1085 = vector.broadcast %slice3A_1084 : vector<1x128xi32> to vector<32x128xi32>
      %shift_right_arithmetic3A_1086 = arith.shrsi %shift_right_arithmetic3A_1085, %iota3A_706 : vector<32x128xi32>
      %and3A_1087 = vector.broadcast %scan3A_748 : i32 to vector<32x128xi32>
      %and3A_1088 = arith.andi %shift_right_arithmetic3A_1086, %and3A_1087 : vector<32x128xi32>
      %eq3A_1089 = vector.broadcast %scan3A_748 : i32 to vector<32x128xi32>
      %eq3A_1090 = arith.cmpi eq, %and3A_1088, %eq3A_1089 : vector<32x128xi32>
      %broadcast_in_dim3A_1091 = vector.broadcast %scan3A : f32 to vector<32x128xf32>
      %select_n3A_1092 = arith.select %eq3A_1090, %broadcast_in_dim3A_1091, %get3A_1083 : vector<32x128xi1>, vector<32x128xf32>
      %reduce_max3A_1093 = arith.constant dense<0xFF800000> : vector<128xf32>
      %reduce_max3A_1094 = vector.multi_reduction <maximumf>, %select_n3A_1092, %reduce_max3A_1093 [0] : vector<32x128xf32> to vector<128xf32>
      %broadcast_in_dim3A_1095 = vector.shape_cast %reduce_max3A_1094 : vector<128xf32> to vector<1x128xf32>
      %eq3A_1096 = vector.broadcast %broadcast_in_dim3A_1095 : vector<1x128xf32> to vector<32x128xf32>
      %eq3A_1097 = arith.cmpf oeq, %select_n3A_1092, %eq3A_1096 : vector<32x128xf32>
      %add3A_1098 = arith.constant 352 : i32
      %add3A_1099 = vector.broadcast %add3A_1098 : i32 to vector<32x128xi32>
      %add3A_1100 = arith.addi %iota3A_706, %add3A_1099 : vector<32x128xi32>
      %broadcast_in_dim3A_1101 = vector.broadcast %scan3A_747 : i32 to vector<32x128xi32>
      %select_n3A_1102 = arith.select %eq3A_1097, %add3A_1100, %broadcast_in_dim3A_1101 : vector<32x128xi1>, vector<32x128xi32>
      %reduce_min3A_1103 = arith.constant dense<2147483647> : vector<128xi32>
      %reduce_min3A_1104 = vector.multi_reduction <minsi>, %select_n3A_1102, %reduce_min3A_1103 [0] : vector<32x128xi32> to vector<128xi32>
      %broadcast_in_dim3A_1105 = vector.shape_cast %reduce_min3A_1104 : vector<128xi32> to vector<1x128xi32>
      %gt3A_1106 = arith.cmpf ogt, %broadcast_in_dim3A_1095, %select_n3A_1080 : vector<1x128xf32>
      %select_n3A_1107 = arith.select %gt3A_1106, %broadcast_in_dim3A_1105, %select_n3A_1079 : vector<1x128xi1>, vector<1x128xi32>
      %select_n3A_1108 = arith.select %gt3A_1106, %broadcast_in_dim3A_1095, %select_n3A_1080 : vector<1x128xi1>, vector<1x128xf32>
      %get3A_1109 = arith.constant 384 : index
      %get3A_1110 = arith.constant 0 : index
      %get3A_1111 = vector.load %arg5[%get3A_1109, %get3A_1110] : memref<512x128xf32, #tpu.memory_space<vmem>>, vector<32x128xf32>
      %slice3A_1112 = vector.extract_strided_slice %scan3A_773 {offsets = [12, 0], sizes = [1, 128], strides = [1, 1]} : vector<16x128xi32> to vector<1x128xi32>
      %shift_right_arithmetic3A_1113 = vector.broadcast %slice3A_1112 : vector<1x128xi32> to vector<32x128xi32>
      %shift_right_arithmetic3A_1114 = arith.shrsi %shift_right_arithmetic3A_1113, %iota3A_706 : vector<32x128xi32>
      %and3A_1115 = vector.broadcast %scan3A_748 : i32 to vector<32x128xi32>
      %and3A_1116 = arith.andi %shift_right_arithmetic3A_1114, %and3A_1115 : vector<32x128xi32>
      %eq3A_1117 = vector.broadcast %scan3A_748 : i32 to vector<32x128xi32>
      %eq3A_1118 = arith.cmpi eq, %and3A_1116, %eq3A_1117 : vector<32x128xi32>
      %broadcast_in_dim3A_1119 = vector.broadcast %scan3A : f32 to vector<32x128xf32>
      %select_n3A_1120 = arith.select %eq3A_1118, %broadcast_in_dim3A_1119, %get3A_1111 : vector<32x128xi1>, vector<32x128xf32>
      %reduce_max3A_1121 = arith.constant dense<0xFF800000> : vector<128xf32>
      %reduce_max3A_1122 = vector.multi_reduction <maximumf>, %select_n3A_1120, %reduce_max3A_1121 [0] : vector<32x128xf32> to vector<128xf32>
      %broadcast_in_dim3A_1123 = vector.shape_cast %reduce_max3A_1122 : vector<128xf32> to vector<1x128xf32>
      %eq3A_1124 = vector.broadcast %broadcast_in_dim3A_1123 : vector<1x128xf32> to vector<32x128xf32>
      %eq3A_1125 = arith.cmpf oeq, %select_n3A_1120, %eq3A_1124 : vector<32x128xf32>
      %add3A_1126 = arith.constant 384 : i32
      %add3A_1127 = vector.broadcast %add3A_1126 : i32 to vector<32x128xi32>
      %add3A_1128 = arith.addi %iota3A_706, %add3A_1127 : vector<32x128xi32>
      %broadcast_in_dim3A_1129 = vector.broadcast %scan3A_747 : i32 to vector<32x128xi32>
      %select_n3A_1130 = arith.select %eq3A_1125, %add3A_1128, %broadcast_in_dim3A_1129 : vector<32x128xi1>, vector<32x128xi32>
      %reduce_min3A_1131 = arith.constant dense<2147483647> : vector<128xi32>
      %reduce_min3A_1132 = vector.multi_reduction <minsi>, %select_n3A_1130, %reduce_min3A_1131 [0] : vector<32x128xi32> to vector<128xi32>
      %broadcast_in_dim3A_1133 = vector.shape_cast %reduce_min3A_1132 : vector<128xi32> to vector<1x128xi32>
      %gt3A_1134 = arith.cmpf ogt, %broadcast_in_dim3A_1123, %select_n3A_1108 : vector<1x128xf32>
      %select_n3A_1135 = arith.select %gt3A_1134, %broadcast_in_dim3A_1133, %select_n3A_1107 : vector<1x128xi1>, vector<1x128xi32>
      %select_n3A_1136 = arith.select %gt3A_1134, %broadcast_in_dim3A_1123, %select_n3A_1108 : vector<1x128xi1>, vector<1x128xf32>
      %get3A_1137 = arith.constant 416 : index
      %get3A_1138 = arith.constant 0 : index
      %get3A_1139 = vector.load %arg5[%get3A_1137, %get3A_1138] : memref<512x128xf32, #tpu.memory_space<vmem>>, vector<32x128xf32>
      %slice3A_1140 = vector.extract_strided_slice %scan3A_773 {offsets = [13, 0], sizes = [1, 128], strides = [1, 1]} : vector<16x128xi32> to vector<1x128xi32>
      %shift_right_arithmetic3A_1141 = vector.broadcast %slice3A_1140 : vector<1x128xi32> to vector<32x128xi32>
      %shift_right_arithmetic3A_1142 = arith.shrsi %shift_right_arithmetic3A_1141, %iota3A_706 : vector<32x128xi32>
      %and3A_1143 = vector.broadcast %scan3A_748 : i32 to vector<32x128xi32>
      %and3A_1144 = arith.andi %shift_right_arithmetic3A_1142, %and3A_1143 : vector<32x128xi32>
      %eq3A_1145 = vector.broadcast %scan3A_748 : i32 to vector<32x128xi32>
      %eq3A_1146 = arith.cmpi eq, %and3A_1144, %eq3A_1145 : vector<32x128xi32>
      %broadcast_in_dim3A_1147 = vector.broadcast %scan3A : f32 to vector<32x128xf32>
      %select_n3A_1148 = arith.select %eq3A_1146, %broadcast_in_dim3A_1147, %get3A_1139 : vector<32x128xi1>, vector<32x128xf32>
      %reduce_max3A_1149 = arith.constant dense<0xFF800000> : vector<128xf32>
      %reduce_max3A_1150 = vector.multi_reduction <maximumf>, %select_n3A_1148, %reduce_max3A_1149 [0] : vector<32x128xf32> to vector<128xf32>
      %broadcast_in_dim3A_1151 = vector.shape_cast %reduce_max3A_1150 : vector<128xf32> to vector<1x128xf32>
      %eq3A_1152 = vector.broadcast %broadcast_in_dim3A_1151 : vector<1x128xf32> to vector<32x128xf32>
      %eq3A_1153 = arith.cmpf oeq, %select_n3A_1148, %eq3A_1152 : vector<32x128xf32>
      %add3A_1154 = arith.constant 416 : i32
      %add3A_1155 = vector.broadcast %add3A_1154 : i32 to vector<32x128xi32>
      %add3A_1156 = arith.addi %iota3A_706, %add3A_1155 : vector<32x128xi32>
      %broadcast_in_dim3A_1157 = vector.broadcast %scan3A_747 : i32 to vector<32x128xi32>
      %select_n3A_1158 = arith.select %eq3A_1153, %add3A_1156, %broadcast_in_dim3A_1157 : vector<32x128xi1>, vector<32x128xi32>
      %reduce_min3A_1159 = arith.constant dense<2147483647> : vector<128xi32>
      %reduce_min3A_1160 = vector.multi_reduction <minsi>, %select_n3A_1158, %reduce_min3A_1159 [0] : vector<32x128xi32> to vector<128xi32>
      %broadcast_in_dim3A_1161 = vector.shape_cast %reduce_min3A_1160 : vector<128xi32> to vector<1x128xi32>
      %gt3A_1162 = arith.cmpf ogt, %broadcast_in_dim3A_1151, %select_n3A_1136 : vector<1x128xf32>
      %select_n3A_1163 = arith.select %gt3A_1162, %broadcast_in_dim3A_1161, %select_n3A_1135 : vector<1x128xi1>, vector<1x128xi32>
      %select_n3A_1164 = arith.select %gt3A_1162, %broadcast_in_dim3A_1151, %select_n3A_1136 : vector<1x128xi1>, vector<1x128xf32>
      %get3A_1165 = arith.constant 448 : index
      %get3A_1166 = arith.constant 0 : index
      %get3A_1167 = vector.load %arg5[%get3A_1165, %get3A_1166] : memref<512x128xf32, #tpu.memory_space<vmem>>, vector<32x128xf32>
      %slice3A_1168 = vector.extract_strided_slice %scan3A_773 {offsets = [14, 0], sizes = [1, 128], strides = [1, 1]} : vector<16x128xi32> to vector<1x128xi32>
      %shift_right_arithmetic3A_1169 = vector.broadcast %slice3A_1168 : vector<1x128xi32> to vector<32x128xi32>
      %shift_right_arithmetic3A_1170 = arith.shrsi %shift_right_arithmetic3A_1169, %iota3A_706 : vector<32x128xi32>
      %and3A_1171 = vector.broadcast %scan3A_748 : i32 to vector<32x128xi32>
      %and3A_1172 = arith.andi %shift_right_arithmetic3A_1170, %and3A_1171 : vector<32x128xi32>
      %eq3A_1173 = vector.broadcast %scan3A_748 : i32 to vector<32x128xi32>
      %eq3A_1174 = arith.cmpi eq, %and3A_1172, %eq3A_1173 : vector<32x128xi32>
      %broadcast_in_dim3A_1175 = vector.broadcast %scan3A : f32 to vector<32x128xf32>
      %select_n3A_1176 = arith.select %eq3A_1174, %broadcast_in_dim3A_1175, %get3A_1167 : vector<32x128xi1>, vector<32x128xf32>
      %reduce_max3A_1177 = arith.constant dense<0xFF800000> : vector<128xf32>
      %reduce_max3A_1178 = vector.multi_reduction <maximumf>, %select_n3A_1176, %reduce_max3A_1177 [0] : vector<32x128xf32> to vector<128xf32>
      %broadcast_in_dim3A_1179 = vector.shape_cast %reduce_max3A_1178 : vector<128xf32> to vector<1x128xf32>
      %eq3A_1180 = vector.broadcast %broadcast_in_dim3A_1179 : vector<1x128xf32> to vector<32x128xf32>
      %eq3A_1181 = arith.cmpf oeq, %select_n3A_1176, %eq3A_1180 : vector<32x128xf32>
      %add3A_1182 = arith.constant 448 : i32
      %add3A_1183 = vector.broadcast %add3A_1182 : i32 to vector<32x128xi32>
      %add3A_1184 = arith.addi %iota3A_706, %add3A_1183 : vector<32x128xi32>
      %broadcast_in_dim3A_1185 = vector.broadcast %scan3A_747 : i32 to vector<32x128xi32>
      %select_n3A_1186 = arith.select %eq3A_1181, %add3A_1184, %broadcast_in_dim3A_1185 : vector<32x128xi1>, vector<32x128xi32>
      %reduce_min3A_1187 = arith.constant dense<2147483647> : vector<128xi32>
      %reduce_min3A_1188 = vector.multi_reduction <minsi>, %select_n3A_1186, %reduce_min3A_1187 [0] : vector<32x128xi32> to vector<128xi32>
      %broadcast_in_dim3A_1189 = vector.shape_cast %reduce_min3A_1188 : vector<128xi32> to vector<1x128xi32>
      %gt3A_1190 = arith.cmpf ogt, %broadcast_in_dim3A_1179, %select_n3A_1164 : vector<1x128xf32>
      %select_n3A_1191 = arith.select %gt3A_1190, %broadcast_in_dim3A_1189, %select_n3A_1163 : vector<1x128xi1>, vector<1x128xi32>
      %select_n3A_1192 = arith.select %gt3A_1190, %broadcast_in_dim3A_1179, %select_n3A_1164 : vector<1x128xi1>, vector<1x128xf32>
      %get3A_1193 = arith.constant 480 : index
      %get3A_1194 = arith.constant 0 : index
      %get3A_1195 = vector.load %arg5[%get3A_1193, %get3A_1194] : memref<512x128xf32, #tpu.memory_space<vmem>>, vector<32x128xf32>
      %slice3A_1196 = vector.extract_strided_slice %scan3A_773 {offsets = [15, 0], sizes = [1, 128], strides = [1, 1]} : vector<16x128xi32> to vector<1x128xi32>
      %shift_right_arithmetic3A_1197 = vector.broadcast %slice3A_1196 : vector<1x128xi32> to vector<32x128xi32>
      %shift_right_arithmetic3A_1198 = arith.shrsi %shift_right_arithmetic3A_1197, %iota3A_706 : vector<32x128xi32>
      %and3A_1199 = vector.broadcast %scan3A_748 : i32 to vector<32x128xi32>
      %and3A_1200 = arith.andi %shift_right_arithmetic3A_1198, %and3A_1199 : vector<32x128xi32>
      %eq3A_1201 = vector.broadcast %scan3A_748 : i32 to vector<32x128xi32>
      %eq3A_1202 = arith.cmpi eq, %and3A_1200, %eq3A_1201 : vector<32x128xi32>
      %broadcast_in_dim3A_1203 = vector.broadcast %scan3A : f32 to vector<32x128xf32>
      %select_n3A_1204 = arith.select %eq3A_1202, %broadcast_in_dim3A_1203, %get3A_1195 : vector<32x128xi1>, vector<32x128xf32>
      %reduce_max3A_1205 = arith.constant dense<0xFF800000> : vector<128xf32>
      %reduce_max3A_1206 = vector.multi_reduction <maximumf>, %select_n3A_1204, %reduce_max3A_1205 [0] : vector<32x128xf32> to vector<128xf32>
      %broadcast_in_dim3A_1207 = vector.shape_cast %reduce_max3A_1206 : vector<128xf32> to vector<1x128xf32>
      %eq3A_1208 = vector.broadcast %broadcast_in_dim3A_1207 : vector<1x128xf32> to vector<32x128xf32>
      %eq3A_1209 = arith.cmpf oeq, %select_n3A_1204, %eq3A_1208 : vector<32x128xf32>
      %add3A_1210 = arith.constant 480 : i32
      %add3A_1211 = vector.broadcast %add3A_1210 : i32 to vector<32x128xi32>
      %add3A_1212 = arith.addi %iota3A_706, %add3A_1211 : vector<32x128xi32>
      %broadcast_in_dim3A_1213 = vector.broadcast %scan3A_747 : i32 to vector<32x128xi32>
      %select_n3A_1214 = arith.select %eq3A_1209, %add3A_1212, %broadcast_in_dim3A_1213 : vector<32x128xi1>, vector<32x128xi32>
      %reduce_min3A_1215 = arith.constant dense<2147483647> : vector<128xi32>
      %reduce_min3A_1216 = vector.multi_reduction <minsi>, %select_n3A_1214, %reduce_min3A_1215 [0] : vector<32x128xi32> to vector<128xi32>
      %broadcast_in_dim3A_1217 = vector.shape_cast %reduce_min3A_1216 : vector<128xi32> to vector<1x128xi32>
      %gt3A_1218 = arith.cmpf ogt, %broadcast_in_dim3A_1207, %select_n3A_1192 : vector<1x128xf32>
      %select_n3A_1219 = arith.select %gt3A_1218, %broadcast_in_dim3A_1217, %select_n3A_1191 : vector<1x128xi1>, vector<1x128xi32>
      %swap3A_1220 = arith.index_cast %scan3A_772 : i32 to index
      %swap3A_1221 = arith.constant 0 : index
      %swap3A_1222 = vector.load %arg7[%swap3A_1220, %swap3A_1221] : memref<32x128xi32, #tpu.memory_space<vmem>>, vector<1x128xi32>
      tpu.vector_store %arg7[%swap3A_1220, %swap3A_1221], %select_n3A_1219 {strides = array<i32>} : memref<32x128xi32, #tpu.memory_space<vmem>>, vector<1x128xi32>,
      %shift_right_arithmetic3A_1223 = arith.constant 5 : i32
      %shift_right_arithmetic3A_1224 = vector.broadcast %shift_right_arithmetic3A_1223 : i32 to vector<1x128xi32>
      %shift_right_arithmetic3A_1225 = arith.shrsi %select_n3A_1219, %shift_right_arithmetic3A_1224 : vector<1x128xi32>
      %eq3A_1226 = vector.broadcast %shift_right_arithmetic3A_1225 : vector<1x128xi32> to vector<16x128xi32>
      %eq3A_1227 = arith.cmpi eq, %iota3A_707, %eq3A_1226 : vector<16x128xi32>
      %and3A_1228 = arith.constant 31 : i32
      %and3A_1229 = vector.broadcast %and3A_1228 : i32 to vector<1x128xi32>
      %and3A_1230 = arith.andi %select_n3A_1219, %and3A_1229 : vector<1x128xi32>
      %shift_left3A = vector.broadcast %scan3A_748 : i32 to vector<1x128xi32>
      %shift_left3A_1231 = arith.shli %shift_left3A, %and3A_1230 : vector<1x128xi32>
      %jit3A_1232 = arith.constant 0 : i32
      %broadcast_in_dim3A_1233 = vector.shape_cast %shift_left3A_1231 : vector<1x128xi32> to vector<1x128xi32>
      %broadcast_in_dim3A_1234 = vector.broadcast %broadcast_in_dim3A_1233 : vector<1x128xi32> to vector<16x128xi32>
      %broadcast_in_dim3A_1235 = vector.broadcast %jit3A_1232 : i32 to vector<16x128xi32>
      %select_n3A_1236 = arith.select %eq3A_1227, %broadcast_in_dim3A_1234, %broadcast_in_dim3A_1235 : vector<16x128xi1>, vector<16x128xi32>
      %or3A = arith.ori %scan3A_773, %select_n3A_1236 : vector<16x128xi32>
      %ge3A = arith.cmpi sge, %select_n3A_1219, %mul3A_742 : vector<1x128xi32>
      %add3A_1237 = arith.constant 31 : i32
      %add3A_1238 = vector.broadcast %add3A_1237 : i32 to vector<1x128xi32>
      %add3A_1239 = arith.addi %mul3A_742, %add3A_1238 : vector<1x128xi32>
      %le3A = arith.cmpi sle, %select_n3A_1219, %add3A_1239 : vector<1x128xi32>
      %and3A_1240 = arith.andi %ge3A, %le3A : vector<1x128xi1>
      %convert_element_type3A_1241 = arith.extui %and3A_1240 : vector<1x128xi1> to vector<1x128xi32>
      %convert_element_type3A_1242 = arith.sitofp %convert_element_type3A_1241 : vector<1x128xi32> to vector<1x128xf32>
      %add3A_1243 = arith.addf %scan3A_774, %convert_element_type3A_1242 : vector<1x128xf32>
      scf.yield %or3A, %add3A_1243 : vector<16x128xi32>, vector<1x128xf32>
    }
    %scan3A_754 = arith.constant 32 : i32
    %reduce_sum3A_755 = vector.shape_cast %scan3A_753#1 : vector<1x128xf32> to vector<1x1x128xf32>
    %reduce_sum3A_756 = arith.constant dense<0.000000e+00> : vector<1xf32>
    %reduce_sum3A_757 = vector.multi_reduction <add>, %reduce_sum3A_755, %reduce_sum3A_756 [1, 2] : vector<1x1x128xf32> to vector<1xf32>
    %reduce_sum3A_758 = vector.shape_cast %reduce_sum3A_757 : vector<1xf32> to vector<1x1x1xf32>
    %reduce_sum3A_759 = vector.extract %reduce_sum3A_758[0, 0, 0] : f32 from vector<1x1x1xf32>
    %div3A_760 = arith.constant 4.096000e+03 : f32
    %div3A_761 = arith.divf %reduce_sum3A_759, %div3A_760 : f32
    %reshape3A = vector.broadcast %div3A_761 : f32 to vector<1x1xf32>
    %swap3A_762 = arith.constant 0 : index
    %swap3A_763 = arith.constant 0 : index
    %swap3A_764 = vector.load %arg4[%swap3A_762, %swap3A_763] : memref<1x1xf32, #tpu.memory_space<vmem>>, vector<1x1xf32>
    tpu.vector_store %arg4[%swap3A_762, %swap3A_763], %reshape3A {strides = array<i32>} : memref<1x1xf32, #tpu.memory_space<vmem>>, vector<1x1xf32>,
    %get3A_765 = arith.constant 0 : index
    %get3A_766 = arith.constant 0 : index
    %get3A_767 = vector.load %arg7[%get3A_765, %get3A_766] : memref<32x128xi32, #tpu.memory_space<vmem>>, vector<32x128xi32>
    %transpose3A_768 = tpu.transpose %get3A_767, [1, 0] : vector<32x128xi32> -> vector<128x32xi32>
    %swap3A_769 = arith.constant 0 : index
    %swap3A_770 = arith.constant 0 : index
    %swap3A_771 = vector.load %arg3[%swap3A_769, %swap3A_770] : memref<128x32xi32, #tpu.memory_space<vmem>>, vector<128x32xi32>
    tpu.vector_store %arg3[%swap3A_769, %swap3A_770], %transpose3A_768 {strides = array<i32>} : memref<128x32xi32, #tpu.memory_space<vmem>>, vector<128x32xi32>,
    return
  }
}

</mosaic_0001>

<sc_bundles>
// kernel: kernel.4.cloned.1.call-start
scs
__scs_entry_jumppad:
0x0: {  	(pc) =	sbr.rel $0x88, $3  }
0x1: {  	(tag) =	ssettag $0x0;
	lr =	simm.s32 $0x1  }
0x2: {  	[smem:$0x3F9E] =	sst lr;
	_ =	strace $0xD0000000  }
0x3: {  	_ = 	snop  }
0x4: {  	_ = 	snop  }
0x5: {  	_ = 	snop  }
0x6: {  	_ = 	snop  }
0x7: {  	_ = 	snop  }
__scs_overlays_trampoline_lowered:
0x8: {  	[smem:$0x3FAD] =	sst s0  }
0x9: {  	[smem:$0x3FAE] =	sst s1  }
0xa: {  	[smem:$0x3FAF] =	sst s2  }
0xb: {  	[smem:$0x3FB0] =	sst s3  }
0xc: {  	[smem:$0x3FB1] =	sst s4  }
0xd: {  	[smem:$0x3FB2] =	sst s5  }
0xe: {  	[smem:$0x3FB3] =	sst s6  }
0xf: {  	[smem:$0x3FB4] =	sst s7  }
0x10: {  	[smem:$0x3FB5] =	sst s8  }
0x11: {  	[smem:$0x3FB6] =	sst s9;
	s0 =	simm.s32 @!p0 $0x0  }
0x12: {  	s1 =	sld [smem:$0x3F9C];
	s0 =	simm.s32 @p0 $0x1  }
0x13: {  	[smem:$0x3FB7] =	sst s0;
	s0 =	simm.s32 @!p1 $0x0  }
0x14: {  	s2 =	sld [smem:$0x3F9B];
	s0 =	simm.s32 @p1 $0x1  }
0x15: {  	[smem:$0x3FB8] =	sst s0;
	s0 =	simm.s32 @!p2 $0x0  }
0x16: {  	s3 =	sld [smem:$0x3FDB];
	s0 =	simm.s32 @p2 $0x1  }
0x17: {  	s4 =	simm.s32 $0x1BF5;
	[smem:$0x3FBA] =	sst s0  }
0x18: {  	s0 =	sld [smem:$0x3F9D];
	_ =	swait.ge [sflag:s4], $0x0  }
0x19: {  	s7 =	sld [smem:$0x3F9E]  }
0x1a: {  	s8 =	sadd.s32 $0xFFFFE003, lr  }
0x1b: {  	s9 =	sadd.s32 $0xFFFFFEF7, lr;
	s5 =	simm.s32 $0xFFFFFFFF;
	p2 =	slt.u32 s8, $0xFFFFF086  }
0x1c: {  	p1 =	slt.u32 s9, $0xF7A;
	s5 =	simm.s32 @!p2 $0x0  }
0x1d: {  	s5 =	simm.s32 @p1 $0x1;
	p0 =	seq.s32 s7, s2  }
0x1e: {  	s7 =	smul.u32 @!p0 $0xF7A, s2;
	p2 =	seq.s32 @!p0 s5, $0x0  }
0x1f: {  	s9 =	smul.u32 $0xF7A, s1;
	s8 =	simm.s32 @!p0 $0x1BF5;
	p2 =	por !p2, p0  }
0x20: {  	[sflag:s8] =	ssyncset.s32 @!p0 $0xFFFFF086;
	s6 =	sadd.s32 @!p0 s3, s7;
	s7 =	simm.s32 @!p0 $0x108  }
0x21: {  	s3 =	sadd.s32 s3, s9;
	s6 =	sadd.s32 @!p0 $0x88, s6;
	s7 =	simm.s32 @p2 $0x1082  }
0x22: {  	[simem:s7], [sflag:s8] =	dma.local @!p0 [hbm:s6], $0xF7A  }
0x23: {  	s9 =	sor.u32 $0xD0000000, s2;
	s6 =	simm.s32 $0x108;
	_ =	swait.ge @!p0 [sflag:s8], $0x0  }
0x24: {  	s3 =	sadd.s32 $0x88, s3;
	s6 =	simm.s32 @!p1 $0x1082;
	[sflag:s4] =	ssyncset.s32 $0xFFFFF086  }
0x25: {  	[simem:s6], [sflag:s4] =	dma.local [hbm:s3], $0xF7A  }
0x26: {  	[smem:$0x3F9E] =	sst s1;
	(tag) =	ssettag s2;
	_ =	strace s9  }
0x27: {  	s1 =	sld [smem:$0x3FAE]  }
0x28: {  	s2 =	sld [smem:$0x3FAF]  }
0x29: {  	s4 =	sld [smem:$0x3FB1]  }
0x2a: {  	p0 =	seq.s32 s5, $0x0;
	s5 =	sld [smem:$0x3FB2]  }
0x2b: {  	s6 =	sld [smem:$0x3FB3]  }
0x2c: {  	s7 =	sld [smem:$0x3FB4]  }
0x2d: {  	s3 =	simm.s32 $0x108;
	s8 =	sld [smem:$0x3FB5]  }
0x2e: {  	s3 =	simm.s32 @!p0 $0x1082;
	s9 =	sld [smem:$0x3FB6]  }
0x2f: {  	lr =	sadd.s32 s0, s3;
	s0 =	sld [smem:$0x3FAD]  }
0x30: {  	s3 =	sld [smem:$0x3FB0]  }
0x31: {  	[smem:$0x3FB9] =	sst s10  }
0x32: {  	s10 =	sld [smem:$0x3FB7];
	_ =	sdelay $0x3  }
0x33: {  	p0 =	seq.s32 s10, $0x1;
	s10 =	sld [smem:$0x3FB9];
	_ =	sdelay $0x3  }
0x34: {  	[smem:$0x3FB9] =	sst s10  }
0x35: {  	s10 =	sld [smem:$0x3FB8];
	_ =	sdelay $0x3  }
0x36: {  	p1 =	seq.s32 s10, $0x1;
	s10 =	sld [smem:$0x3FB9];
	_ =	sdelay $0x3  }
0x37: {  	[smem:$0x3FB9] =	sst s10  }
0x38: {  	s10 =	sld [smem:$0x3FBA]  }
0x39: {  	_ = 	snop;
	(pc) =	sbr.ind lr, $3  }
0x3a: {  	_ = 	snop  }
0x3b: {  	_ = 	snop  }
0x3c: {  	p2 =	seq.s32 s10, $0x1;
	s10 =	sld [smem:$0x3FB9]  }
0x3d: {  	_ =	shalt  }
0x3e: {  	_ =	shalt  }
0x3f: {  	_ =	shalt  }
0x40: {  	_ =	shalt  }
0x41: {  	_ =	shalt  }
0x42: {  	_ =	shalt  }
0x43: {  	_ =	shalt  }
0x44: {  	_ =	shalt  }
0x45: {  	_ =	shalt  }
0x46: {  	_ =	shalt  }
0x47: {  	_ =	shalt  }
0x48: {  	_ =	shalt  }
0x49: {  	_ =	shalt  }
0x4a: {  	_ =	shalt  }
0x4b: {  	_ =	shalt  }
0x4c: {  	_ =	shalt  }
0x4d: {  	_ =	shalt  }
0x4e: {  	_ =	shalt  }
0x4f: {  	_ =	shalt  }
0x50: {  	_ =	shalt  }
0x51: {  	_ =	shalt  }
0x52: {  	_ =	shalt  }
0x53: {  	_ =	shalt  }
0x54: {  	_ =	shalt  }
0x55: {  	_ =	shalt  }
0x56: {  	_ =	shalt  }
0x57: {  	_ =	shalt  }
0x58: {  	_ =	shalt  }
0x59: {  	_ =	shalt  }
0x5a: {  	_ =	shalt  }
0x5b: {  	_ =	shalt  }
0x5c: {  	_ =	shalt  }
0x5d: {  	_ =	shalt  }
0x5e: {  	_ =	shalt  }
0x5f: {  	_ =	shalt  }
0x60: {  	_ =	shalt  }
0x61: {  	_ =	shalt  }
0x62: {  	_ =	shalt  }
0x63: {  	_ =	shalt  }
0x64: {  	_ =	shalt  }
0x65: {  	_ =	shalt  }
0x66: {  	_ =	shalt  }
0x67: {  	_ =	shalt  }
0x68: {  	_ =	shalt  }
0x69: {  	_ =	shalt  }
0x6a: {  	_ =	shalt  }
0x6b: {  	_ =	shalt  }
0x6c: {  	_ =	shalt  }
0x6d: {  	_ =	shalt  }
0x6e: {  	_ =	shalt  }
0x6f: {  	_ =	shalt  }
0x70: {  	_ =	shalt  }
0x71: {  	_ =	shalt  }
0x72: {  	_ =	shalt  }
0x73: {  	_ =	shalt  }
0x74: {  	_ =	shalt  }
0x75: {  	_ =	shalt  }
0x76: {  	_ =	shalt  }
0x77: {  	_ =	shalt  }
0x78: {  	_ =	shalt  }
0x79: {  	_ =	shalt  }
0x7a: {  	_ =	shalt  }
0x7b: {  	_ =	shalt  }
0x7c: {  	_ =	shalt  }
0x7d: {  	_ =	shalt  }
0x7e: {  	_ =	shalt  }
0x7f: {  	_ =	shalt  }
0x80: {  	_ =	shalt  }
0x81: {  	_ =	shalt  }
0x82: {  	_ =	shalt  }
0x83: {  	_ =	shalt  }
0x84: {  	_ =	shalt  }
0x85: {  	_ =	shalt  }
0x86: {  	_ =	shalt  }
0x87: {  	_ =	shalt  }
.Lfunc_end0:
.L_simem_size_0:
called_computation_lowered:
.L_overlay_start_0:
0x88: {  	s2 =	sld [smem:$0x3FD9]  }
0x89: {  	s3 =	sld [smem:$0x3FFE];
	_ =	sdelay $0x1  }
0x8a: {  	s1 =	srdreg.scid  }
0x8b: {  	s0 =	sand.u32 $0x1, s1  }
0x8c: {  	s14 =	sshll.u32 s0, $0xA;
	s2 =	sadd.s32 s3, s2  }
0x8d: {  	s2 =	sadd.s32 s2, s14  }
0x8e: {  	[smem:$0x3FC5] =	sst s2  }
0x8f: {  	_ = 	snop  }
0x90: {  	s2 =	sld [smem:$0x3FD0];
	_ =	sdelay $0x2  }
0x91: {  	s4 =	simm.s32 $0xA;
	s5 =	simm.s32 $0x10;
	s15 =	sld [smem:$0x3FC8]  }
0x92: {  	[smem:s5], [sflag:s4] =	dma.local [hbm:s2], $0x1  }
0x93: {  	_ =	swait.eq [sflag:s4], $0x1  }
0x94: {  	[sflag:s4] =	ssyncset.done $0x0  }
0x95: {  	[sflag:s4] =	ssyncadd.s32 $0xFFFFFFFF  }
0x96: {  	s16 =	sld [smem:$0x10];
	(tm) =	ssettm $0x1  }
0x97: {  	s17 =	sld [smem:$0x3FFB];
	_ =	sdelay $0x3  }
0x98: {  	_ =	strace s17  }
0x99: {  	s4 =	sld [smem:$0x3FFC];
	_ =	sdelay $0x3  }
0x9a: {  	_ =	strace s4  }
0x9b: {  	s4 =	sld [smem:$0x3FFD];
	_ =	sdelay $0x3  }
0x9c: {  	_ =	strace s4  }
0x9d: {  	_ =	strace $0x8FFFFFFF  }
0x9e: {  	s18 =	sld [smem:$0x3FDB];
	_ =	sdelay $0x1  }
0x9f: {  	s19 =	simm.s32 $_scs_section_size  }
0xa0: {  	s6 =	simm.s32 $_size__tile_overlayer_lowered;
	s7 =	simm.s32 $_tile_overlayer_lowered  }
0xa1: {  	s22 =	simm.s32 $0x1BFF;
	s21 =	sshll.u32 s7, $0x1;
	s4 =	sadd.s32 s19, s18  }
0xa2: {  	s8 =	simm.s32 $0x0;
	s20 =	sshll.u32 s6, $0x1;
	s6 =	sadd.s32 s21, s4  }
0xa3: {  	[timem:s8], [sflag:s22] =	dma.local [hbm:s6], s20  }
0xa4: {  	_ =	swait.ge [sflag:s22], s20  }
0xa5: {  	s5 =	ssub.s32 $0x0, s20;
	[sflag:s22] =	ssyncset.done $0x0  }
0xa6: {  	[sflag:s22] =	ssyncadd.s32 s5;
	_ =	sdelay $0x1  }
0xa7: {  	s23 =	simm.s32 $0x1B8B  }
0xa8: {  	_ =	swait.ge [sflag:s23], $0x1  }
0xa9: {  	[sflag:s23] =	ssyncset.done $0x0  }
0xaa: {  	s25 =	simm.s32 $0x1B8E;
	s24 =	sld [smem:$0x3FFE];
	[sflag:s23] =	ssyncadd.s32 $0xFFFFFFFF  }
0xab: {  	s26 =	simm.s32 $execute0_lowered;
	[smem:$0x3FD2] =	sst s25  }
0xac: {  	s6 =	sshll.u32 s26, $0x1;
	_ =	strace $0x80000046;
	[dreg:$0x1] =	wrdreg $0xFFFFFFFF  }
0xad: {  	s28 =	simm.s32 $_size_execute0_lowered;
	s4 =	sadd.s32 s4, s6;
	[dreg:$0x0] =	wrdreg $0x0  }
0xae: {  	s6 =	sshll.u32 s28, $0x1;
	[dreg:$0x2] =	wrdreg s4  }
0xaf: {  	[dreg:$0x3] =	wrdreg s6  }
0xb0: {  	[dreg:$0x4] =	wrdreg $0xC0  }
0xb1: {  	_ =	task [dreg:s8], $0x5FFFF  }
0xb2: {  	[dreg:$0x1] =	wrdreg $0xFFFFFFFF  }
0xb3: {  	[dreg:$0x0] =	wrdreg $0x60  }
0xb4: {  	[dreg:$0x2] =	wrdreg s15  }
0xb5: {  	[dreg:$0x3] =	wrdreg s24  }
0xb6: {  	[dreg:$0x4] =	wrdreg s16  }
0xb7: {  	[dreg:$0x5] =	wrdreg $0x9  }
0xb8: {  	_ =	task.clear_ibuf [dreg:s8], $0x6FFFF;
	_ =	strace $0x90000046  }
0xb9: {  	s29 =	simm.s32 $0x9;
	_ =	strace $0x80000048  }
0xba: {  	_ =	swait.ge [sflag:s29], $0x1  }
0xbb: {  	[sflag:s29] =	ssyncadd.s32 $0xFFFFFFFF  }
0xbc: {  	_ =	strace $0x90000048  }
0xbd: {  	_ =	sfence  }
0xbe: {  	s30 =	sld [smem:$0x0];
	_ =	sdelay $0x2  }
0xbf: {  	s31 =	sshll.u32 s1, $0xD;
	s1 =	sshrl.u32 s1, $0x2  }
0xc0: {  	s3 =	sand.u32 $0x4000, s31;
	s1 =	sadd.s32 s1, s30  }
0xc1: {  	s0 =	sor.u32 s3, s0;
	s1 =	sshll.u32 s1, $0x11  }
0xc2: {  	s0 =	sor.u32 s1, s0  }
0xc3: {  	s0 =	sadd.s32 $0x8F2B, s0  }
0xc4: {  	[sflag:s0] =	ssyncadd.remote.s32 $0x1  }
0xc5: {  	_ =	sfence.sel $0xFFFF  }
0xc6: {  	[dreg:$0x0] =	wrdreg $0xFFFFFFFF;
	(pc) =	sbr.abs _section_cstart, $3  }
0xc7: {  	[dreg:$0x1] =	wrdreg $0xFFFFFFFF  }
0xc8: {  	_ =	task.clear_ibuf [dreg:s8], $0x2FFFF;
	_ =	strace $0x9FFFFFFF  }
0xc9: {  	(tm) =	ssettm $0x7FFFFFFF  }
tec
execute0_lowered:
.L_overlay_start_1:
0x0: {  	(tag) =	ssettag $0x1  }
0x1: {  	s2 =	srdreg.scid  }
0x2: {  	s1 =	rddreg [dreg:$0x0];
	s0 =	stileid.u32;
	s2 =	sand.u32 $0x1, s2  }
0x3: {  	s4 =	rddreg [dreg:$0x1];
	s3 =	sshll.u32 s0, $0x5;
	s5 =	sshll.u32 s2, $0x4  }
0x4: {  	s6 =	rddreg [dreg:$0x2];
	s5 =	sor.u32 s5, s3;
	s3 =	simm.s32 $0x0  }
0x5: {  	s21 =	simm.s32 $0x880;
	[smem:$0x7FF] =	sst s3  }
0x6: {  	s22 =	simm.s32 $0x1080;
	_ =	strace $0x80000047;
	[dreg:$0x8] =	wrdreg s21  }
0x7: {  	s23 =	simm.s32 $0x1880;
	[dreg:$0x9] =	wrdreg s22  }
0x8: {  	s24 =	simm.s32 $0x2080;
	[dreg:$0xa] =	wrdreg s23  }
0x9: {  	s25 =	simm.s32 $0x2880;
	[dreg:$0xb] =	wrdreg s24  }
0xa: {  	s26 =	simm.s32 $0x3080;
	[dreg:$0xc] =	wrdreg s25  }
0xb: {  	s0 =	simm.s32 $0x3880;
	[dreg:$0xd] =	wrdreg s26  }
0xc: {  	s9 =	simm.s32 $0x5880;
	s10 =	simm.s32 $0x6880;
	[dreg:$0xe] =	wrdreg s0  }
0xd: {  	s11 =	simm.s32 $0x7080;
	s12 =	simm.s32 $0x7880;
	[dreg:$0x12] =	wrdreg s9  }
0xe: {  	s13 =	simm.s32 $0x8080;
	s14 =	simm.s32 $0x8880;
	[dreg:$0x13] =	wrdreg s10  }
0xf: {  	s15 =	simm.s32 $0x9080;
	s16 =	simm.s32 $0x9880;
	[dreg:$0x14] =	wrdreg s11  }
0x10: {  	s28 =	simm.s32 $0x16880;
	s29 =	simm.s32 $0x17080;
	[dreg:$0x15] =	wrdreg s12  }
0x11: {  	s30 =	simm.s32 $0x17880;
	s31 =	simm.s32 $0x1;
	[dreg:$0x16] =	wrdreg s13  }
0x12: {  	s2 =	ssub.s32 $0x2, s2;
	s7 =	smul.u32 $0x300, s5;
	[dreg:$0x17] =	wrdreg s14  }
0x13: {  	s8 =	smul.u32 $0x1800, s5;
	s4 =	sadd.s32 s5, s4;
	[dreg:$0x18] =	wrdreg s15  }
0x14: {  	s5 =	sadd.s32 $0xA00, s4;
	[dreg:$0x19] =	wrdreg s16;
	s21 =	simm.s32 $0xB880  }
0x15: {  	s22 =	simm.s32 $0xC880;
	s23 =	simm.s32 $0xD080;
	s9 =	simm.s32 $0x80  }
0x16: {  	s24 =	simm.s32 $0xD880;
	s10 =	simm.s32 $0x6080;
	[dreg:$0x4] =	wrdreg s5  }
0x17: {  	s25 =	simm.s32 $0xE080;
	s11 =	simm.s32 $0xC080;
	[dreg:$0x1d] =	wrdreg s21  }
0x18: {  	s26 =	simm.s32 $0xE880;
	s13 =	simm.s32 $0xF880;
	[dreg:$0x1e] =	wrdreg s22  }
0x19: {  	s14 =	simm.s32 $0x10080;
	s15 =	simm.s32 $0x10880;
	[dreg:$0x1f] =	wrdreg s23  }
0x1a: {  	s16 =	simm.s32 $0x11080;
	s4 =	sadd.s32 s6, s7;
	[smem:$0x7FB] =	sst s24  }
0x1b: {  	s17 =	sshrl.u32 s8, $0x3;
	s7 =	simm.s32 $0x4880;
	[smem:$0x7FC] =	sst s25  }
0x1c: {  	s8 =	simm.s32 $0x5080;
	s5 =	sadd.s32 $0x100, s1;
	[smem:$0x7FD] =	sst s26  }
0x1d: {  	s21 =	simm.s32 $0x13880;
	s22 =	simm.s32 $0x14080;
	s23 =	simm.s32 $0x14880  }
0x1e: {  	s24 =	simm.s32 $0x15080;
	s25 =	simm.s32 $0x15880;
	[dreg:$0x10] =	wrdreg s7  }
0x1f: {  	s18 =	sadd.s32 $0xC00, s4;
	s6 =	sadd.s32 s6, s17;
	[dreg:$0x11] =	wrdreg s8  }
0x20: {  	s26 =	simm.s32 $0x16080;
	[dreg:$0x5] =	wrdreg s18;
	s19 =	sadd.s32 $0x1800, s6  }
0x21: {  	s17 =	sshrl.u32 s2, $0x1;
	s20 =	sadd.s32 $0x2400, s6;
	[dreg:$0x6] =	wrdreg s19  }
0x22: {  	s8 =	simm.s32 $0x3;
	s6 =	simm.s32 $0x4080;
	[dreg:$0x7] =	wrdreg s20  }
0x23: {  	s18 =	simm.s32 $0xA080;
	s2 =	ssub.s32 s2, s17;
	[dreg:$0xf] =	wrdreg s6  }
0x24: {  	s17 =	simm.s32 $0x11880;
	[dreg:$0x1a] =	wrdreg s18;
	s19 =	simm.s32 $0xA880  }
0x25: {  	v2 =	vlaneseq.u32;
	s20 =	simm.s32 $0xB080;
	s6 =	sadd.s32 $0x200, s1;
	s7 =	smax.u32 s2, $0x1  }
0x26: {  	vm0 =	vmmov $0xffff;
	v1 =	vshrl.u32 v2, $0x3;
	s18 =	simm.s32 $0x12080;
	s2 =	simm.s32 $0x2;
	[dreg:$0x1b] =	wrdreg s19  }
0x27: {  	v0 =	vand.u32 $0x7, v2;
	v2 =	vor.u32 $0x8, v2;
	v1 =	vmul.u32 $0x8, v1;
	[dreg:$0x1c] =	wrdreg s20;
	s19 =	simm.s32 $0x12880;
	s20 =	simm.s32 $0x13080  }
.LBB2_1:
0x28: {  	s0 =	rddreg [dreg:$0x4]  }
0x29: {  	[tilespmem:s3], [sflag:$0x3] =	stream.linear.gather [hbm4b:s0+s3], $0x80, $0x38;
	[tilespmem:$0x18080] =	vst v63  }
0x2a: {  	_ =	swait.ge [sflag:s8], $0x80  }
0x2b: {  	[sflag:s8] =	ssyncset.done $0x0  }
0x2c: {  	[sflag:s8] =	ssyncadd.s32 $0xFFFFFF80  }
0x2d: {  	v3 =	vld [tilespmem:$0x0];
	_ =	sdelay $0x4  }
0x2e: {  	v4 =	vshrl.u32 v3, $0x3  }
0x2f: {  	v4 =	vmul.u32 $0x30, v4  }
0x30: {  	v3 =	vand.u32 $0x7, v3  }
0x31: {  	v3 =	vor.u32 v3, v4  }
0x32: {  	v4 =	vperm.xlane v3, v0;
	_ =	sdelay $0x1  }
0x33: {  	v4 =	vadd.s32 v1, v4;
	_ =	sdelay $0x3  }
0x34: {  	v3 =	vperm.xlane v3, v2  }
0x35: {  	[tilespmem:s9], [sflag:$0x1] =	stream.indirect_vreg.gather [hbm4b:s1+s3], $0x80, v4, vm0, $0xb8;
	[tilespmem:$0x18080] =	vst v63  }
0x36: {  	s0 =	rddreg [dreg:$0x8];
	v3 =	vadd.s32 v1, v3  }
0x37: {  	[tilespmem:s0], [sflag:$0x1] =	stream.indirect_vreg.gather [hbm4b:s5+s3], $0x80, v4, vm0, $0xb8;
	[tilespmem:$0x18080] =	vst v63  }
0x38: {  	s12 =	rddreg [dreg:$0x9]  }
0x39: {  	[tilespmem:s12], [sflag:$0x1] =	stream.indirect_vreg.gather [hbm4b:s6+s3], $0x80, v4, vm0, $0xb8;
	[tilespmem:$0x18080] =	vst v63  }
0x3a: {  	s0 =	rddreg [dreg:$0xa]  }
0x3b: {  	[tilespmem:s0], [sflag:$0x1] =	stream.indirect_vreg.gather [hbm4b:s1+s3], $0x80, v3, vm0, $0xb8;
	[tilespmem:$0x18080] =	vst v63  }
0x3c: {  	s12 =	rddreg [dreg:$0xb]  }
0x3d: {  	[tilespmem:s12], [sflag:$0x1] =	stream.indirect_vreg.gather [hbm4b:s5+s3], $0x80, v3, vm0, $0xb8;
	[tilespmem:$0x18080] =	vst v63  }
0x3e: {  	s0 =	rddreg [dreg:$0xc]  }
0x3f: {  	[tilespmem:s0], [sflag:$0x1] =	stream.indirect_vreg.gather [hbm4b:s6+s3], $0x80, v3, vm0, $0xb8;
	[tilespmem:$0x18080] =	vst v63  }
0x40: {  	v3 =	vld [tilespmem:$0x10];
	_ =	sdelay $0x4  }
0x41: {  	v57 =	vshrl.u32 v3, $0x3  }
0x42: {  	v4 =	vmul.u32 $0x30, v57  }
0x43: {  	v3 =	vand.u32 $0x7, v3  }
0x44: {  	v3 =	vor.u32 v3, v4  }
0x45: {  	v4 =	vperm.xlane v3, v0;
	_ =	sdelay $0x1  }
0x46: {  	v4 =	vadd.s32 v1, v4;
	_ =	sdelay $0x3  }
0x47: {  	s0 =	rddreg [dreg:$0xd];
	v3 =	vperm.xlane v3, v2  }
0x48: {  	[tilespmem:s0], [sflag:$0x1] =	stream.indirect_vreg.gather [hbm4b:s1+s3], $0x80, v4, vm0, $0xb8;
	[tilespmem:$0x18080] =	vst v63  }
0x49: {  	s12 =	rddreg [dreg:$0xe];
	v3 =	vadd.s32 v1, v3  }
0x4a: {  	[tilespmem:s12], [sflag:$0x1] =	stream.indirect_vreg.gather [hbm4b:s5+s3], $0x80, v4, vm0, $0xb8;
	[tilespmem:$0x18080] =	vst v63  }
0x4b: {  	s0 =	rddreg [dreg:$0xf]  }
0x4c: {  	[tilespmem:s0], [sflag:$0x1] =	stream.indirect_vreg.gather [hbm4b:s6+s3], $0x80, v4, vm0, $0xb8;
	[tilespmem:$0x18080] =	vst v63  }
0x4d: {  	s12 =	rddreg [dreg:$0x10]  }
0x4e: {  	[tilespmem:s12], [sflag:$0x1] =	stream.indirect_vreg.gather [hbm4b:s1+s3], $0x80, v3, vm0, $0xb8;
	[tilespmem:$0x18080] =	vst v63  }
0x4f: {  	s0 =	rddreg [dreg:$0x11]  }
0x50: {  	[tilespmem:s0], [sflag:$0x1] =	stream.indirect_vreg.gather [hbm4b:s5+s3], $0x80, v3, vm0, $0xb8;
	[tilespmem:$0x18080] =	vst v63  }
0x51: {  	s12 =	rddreg [dreg:$0x12]  }
0x52: {  	[tilespmem:s12], [sflag:$0x1] =	stream.indirect_vreg.gather [hbm4b:s6+s3], $0x80, v3, vm0, $0xb8;
	[tilespmem:$0x18080] =	vst v63  }
0x53: {  	v3 =	vld [tilespmem:$0x20];
	_ =	sdelay $0x4  }
0x54: {  	v58 =	vshrl.u32 v3, $0x3  }
0x55: {  	v4 =	vmul.u32 $0x30, v58  }
0x56: {  	v3 =	vand.u32 $0x7, v3  }
0x57: {  	v3 =	vor.u32 v3, v4  }
0x58: {  	v4 =	vperm.xlane v3, v0;
	_ =	sdelay $0x1  }
0x59: {  	v4 =	vadd.s32 v1, v4;
	_ =	sdelay $0x3  }
0x5a: {  	v3 =	vperm.xlane v3, v2  }
0x5b: {  	[tilespmem:s10], [sflag:$0x1] =	stream.indirect_vreg.gather [hbm4b:s1+s3], $0x80, v4, vm0, $0xb8;
	[tilespmem:$0x18080] =	vst v63  }
0x5c: {  	s0 =	rddreg [dreg:$0x13];
	v3 =	vadd.s32 v1, v3  }
0x5d: {  	[tilespmem:s0], [sflag:$0x1] =	stream.indirect_vreg.gather [hbm4b:s5+s3], $0x80, v4, vm0, $0xb8;
	[tilespmem:$0x18080] =	vst v63  }
0x5e: {  	s12 =	rddreg [dreg:$0x14]  }
0x5f: {  	[tilespmem:s12], [sflag:$0x1] =	stream.indirect_vreg.gather [hbm4b:s6+s3], $0x80, v4, vm0, $0xb8;
	[tilespmem:$0x18080] =	vst v63  }
0x60: {  	s0 =	rddreg [dreg:$0x15]  }
0x61: {  	[tilespmem:s0], [sflag:$0x1] =	stream.indirect_vreg.gather [hbm4b:s1+s3], $0x80, v3, vm0, $0xb8;
	[tilespmem:$0x18080] =	vst v63  }
0x62: {  	s12 =	rddreg [dreg:$0x16]  }
0x63: {  	[tilespmem:s12], [sflag:$0x1] =	stream.indirect_vreg.gather [hbm4b:s5+s3], $0x80, v3, vm0, $0xb8;
	[tilespmem:$0x18080] =	vst v63  }
0x64: {  	s0 =	rddreg [dreg:$0x17]  }
0x65: {  	[tilespmem:s0], [sflag:$0x1] =	stream.indirect_vreg.gather [hbm4b:s6+s3], $0x80, v3, vm0, $0xb8;
	[tilespmem:$0x18080] =	vst v63  }
0x66: {  	v3 =	vld [tilespmem:$0x30];
	_ =	sdelay $0x4  }
0x67: {  	v59 =	vshrl.u32 v3, $0x3  }
0x68: {  	v4 =	vmul.u32 $0x30, v59  }
0x69: {  	v3 =	vand.u32 $0x7, v3  }
0x6a: {  	v3 =	vor.u32 v3, v4  }
0x6b: {  	v4 =	vperm.xlane v3, v0;
	_ =	sdelay $0x1  }
0x6c: {  	v4 =	vadd.s32 v1, v4;
	_ =	sdelay $0x3  }
0x6d: {  	s0 =	rddreg [dreg:$0x18];
	v3 =	vperm.xlane v3, v2  }
0x6e: {  	[tilespmem:s0], [sflag:$0x1] =	stream.indirect_vreg.gather [hbm4b:s1+s3], $0x80, v4, vm0, $0xb8;
	[tilespmem:$0x18080] =	vst v63  }
0x6f: {  	s12 =	rddreg [dreg:$0x19];
	v3 =	vadd.s32 v1, v3  }
0x70: {  	[tilespmem:s12], [sflag:$0x1] =	stream.indirect_vreg.gather [hbm4b:s5+s3], $0x80, v4, vm0, $0xb8;
	[tilespmem:$0x18080] =	vst v63  }
0x71: {  	s0 =	rddreg [dreg:$0x1a]  }
0x72: {  	[tilespmem:s0], [sflag:$0x1] =	stream.indirect_vreg.gather [hbm4b:s6+s3], $0x80, v4, vm0, $0xb8;
	[tilespmem:$0x18080] =	vst v63  }
0x73: {  	s12 =	rddreg [dreg:$0x1b]  }
0x74: {  	[tilespmem:s12], [sflag:$0x1] =	stream.indirect_vreg.gather [hbm4b:s1+s3], $0x80, v3, vm0, $0xb8;
	[tilespmem:$0x18080] =	vst v63  }
0x75: {  	s0 =	rddreg [dreg:$0x1c]  }
0x76: {  	[tilespmem:s0], [sflag:$0x1] =	stream.indirect_vreg.gather [hbm4b:s5+s3], $0x80, v3, vm0, $0xb8;
	[tilespmem:$0x18080] =	vst v63  }
0x77: {  	s12 =	rddreg [dreg:$0x1d]  }
0x78: {  	[tilespmem:s12], [sflag:$0x1] =	stream.indirect_vreg.gather [hbm4b:s6+s3], $0x80, v3, vm0, $0xb8;
	[tilespmem:$0x18080] =	vst v63  }
0x79: {  	v3 =	vld [tilespmem:$0x40];
	_ =	sdelay $0x4  }
0x7a: {  	v60 =	vshrl.u32 v3, $0x3  }
0x7b: {  	v4 =	vmul.u32 $0x30, v60  }
0x7c: {  	v3 =	vand.u32 $0x7, v3  }
0x7d: {  	v3 =	vor.u32 v3, v4  }
0x7e: {  	v4 =	vperm.xlane v3, v0;
	_ =	sdelay $0x1  }
0x7f: {  	v4 =	vadd.s32 v1, v4;
	_ =	sdelay $0x3  }
0x80: {  	s0 =	rddreg [dreg:$0x1e];
	v3 =	vperm.xlane v3, v2  }
0x81: {  	[tilespmem:s11], [sflag:$0x1] =	stream.indirect_vreg.gather [hbm4b:s1+s3], $0x80, v4, vm0, $0xb8;
	[tilespmem:$0x18080] =	vst v63  }
0x82: {  	s12 =	rddreg [dreg:$0x1f];
	v3 =	vadd.s32 v1, v3  }
0x83: {  	[tilespmem:s0], [sflag:$0x1] =	stream.indirect_vreg.gather [hbm4b:s5+s3], $0x80, v4, vm0, $0xb8;
	[tilespmem:$0x18080] =	vst v63  }
0x84: {  	s0 =	sld [smem:$0x7FB]  }
0x85: {  	[tilespmem:s12], [sflag:$0x1] =	stream.indirect_vreg.gather [hbm4b:s6+s3], $0x80, v4, vm0, $0xb8;
	[tilespmem:$0x18080] =	vst v63  }
0x86: {  	s12 =	sld [smem:$0x7FC]  }
0x87: {  	[tilespmem:s0], [sflag:$0x1] =	stream.indirect_vreg.gather [hbm4b:s1+s3], $0x80, v3, vm0, $0xb8;
	[tilespmem:$0x18080] =	vst v63  }
0x88: {  	s0 =	sld [smem:$0x7FD]  }
0x89: {  	[tilespmem:s12], [sflag:$0x1] =	stream.indirect_vreg.gather [hbm4b:s5+s3], $0x80, v3, vm0, $0xb8;
	[tilespmem:$0x18080] =	vst v63  }
0x8a: {  	_ = 	snop  }
0x8b: {  	[tilespmem:s0], [sflag:$0x1] =	stream.indirect_vreg.gather [hbm4b:s6+s3], $0x80, v3, vm0, $0xb8;
	[tilespmem:$0x18080] =	vst v63  }
0x8c: {  	v3 =	vld [tilespmem:$0x50];
	_ =	sdelay $0x4  }
0x8d: {  	v61 =	vshrl.u32 v3, $0x3  }
0x8e: {  	v4 =	vmul.u32 $0x30, v61  }
0x8f: {  	v3 =	vand.u32 $0x7, v3  }
0x90: {  	v3 =	vor.u32 v3, v4  }
0x91: {  	v4 =	vperm.xlane v3, v0;
	_ =	sdelay $0x1  }
0x92: {  	v4 =	vadd.s32 v1, v4;
	_ =	sdelay $0x3  }
0x93: {  	s12 =	simm.s32 $0xF080;
	v3 =	vperm.xlane v3, v2  }
0x94: {  	[tilespmem:s12], [sflag:$0x1] =	stream.indirect_vreg.gather [hbm4b:s1+s3], $0x80, v4, vm0, $0xb8;
	[tilespmem:$0x18080] =	vst v63  }
0x95: {  	v3 =	vadd.s32 v1, v3  }
0x96: {  	[tilespmem:s13], [sflag:$0x1] =	stream.indirect_vreg.gather [hbm4b:s5+s3], $0x80, v4, vm0, $0xb8;
	[tilespmem:$0x18080] =	vst v63  }
0x97: {  	_ = 	snop  }
0x98: {  	[tilespmem:s14], [sflag:$0x1] =	stream.indirect_vreg.gather [hbm4b:s6+s3], $0x80, v4, vm0, $0xb8;
	[tilespmem:$0x18080] =	vst v63  }
0x99: {  	_ = 	snop  }
0x9a: {  	[tilespmem:s15], [sflag:$0x1] =	stream.indirect_vreg.gather [hbm4b:s1+s3], $0x80, v3, vm0, $0xb8;
	[tilespmem:$0x18080] =	vst v63  }
0x9b: {  	_ = 	snop  }
0x9c: {  	[tilespmem:s16], [sflag:$0x1] =	stream.indirect_vreg.gather [hbm4b:s5+s3], $0x80, v3, vm0, $0xb8;
	[tilespmem:$0x18080] =	vst v63  }
0x9d: {  	_ = 	snop  }
0x9e: {  	[tilespmem:s17], [sflag:$0x1] =	stream.indirect_vreg.gather [hbm4b:s6+s3], $0x80, v3, vm0, $0xb8;
	[tilespmem:$0x18080] =	vst v63  }
0x9f: {  	v3 =	vld [tilespmem:$0x60];
	_ =	sdelay $0x4  }
0xa0: {  	v62 =	vshrl.u32 v3, $0x3  }
0xa1: {  	v4 =	vmul.u32 $0x30, v62  }
0xa2: {  	v3 =	vand.u32 $0x7, v3  }
0xa3: {  	v3 =	vor.u32 v3, v4  }
0xa4: {  	v4 =	vperm.xlane v3, v0;
	_ =	sdelay $0x1  }
0xa5: {  	v4 =	vadd.s32 v1, v4;
	_ =	sdelay $0x3  }
0xa6: {  	v3 =	vperm.xlane v3, v2  }
0xa7: {  	[tilespmem:s18], [sflag:$0x1] =	stream.indirect_vreg.gather [hbm4b:s1+s3], $0x80, v4, vm0, $0xb8;
	[tilespmem:$0x18080] =	vst v63  }
0xa8: {  	v3 =	vadd.s32 v1, v3  }
0xa9: {  	[tilespmem:s19], [sflag:$0x1] =	stream.indirect_vreg.gather [hbm4b:s5+s3], $0x80, v4, vm0, $0xb8;
	[tilespmem:$0x18080] =	vst v63  }
0xaa: {  	_ = 	snop  }
0xab: {  	[tilespmem:s20], [sflag:$0x1] =	stream.indirect_vreg.gather [hbm4b:s6+s3], $0x80, v4, vm0, $0xb8;
	[tilespmem:$0x18080] =	vst v63  }
0xac: {  	_ = 	snop  }
0xad: {  	[tilespmem:s21], [sflag:$0x1] =	stream.indirect_vreg.gather [hbm4b:s1+s3], $0x80, v3, vm0, $0xb8;
	[tilespmem:$0x18080] =	vst v63  }
0xae: {  	_ = 	snop  }
0xaf: {  	[tilespmem:s22], [sflag:$0x1] =	stream.indirect_vreg.gather [hbm4b:s5+s3], $0x80, v3, vm0, $0xb8;
	[tilespmem:$0x18080] =	vst v63  }
0xb0: {  	_ = 	snop  }
0xb1: {  	[tilespmem:s23], [sflag:$0x1] =	stream.indirect_vreg.gather [hbm4b:s6+s3], $0x80, v3, vm0, $0xb8;
	[tilespmem:$0x18080] =	vst v63  }
0xb2: {  	v3 =	vld [tilespmem:$0x70];
	_ =	sdelay $0x4  }
0xb3: {  	v63 =	vshrl.u32 v3, $0x3  }
0xb4: {  	v4 =	vmul.u32 $0x30, v63  }
0xb5: {  	v3 =	vand.u32 $0x7, v3  }
0xb6: {  	v3 =	vor.u32 v3, v4  }
0xb7: {  	v4 =	vperm.xlane v3, v0;
	_ =	sdelay $0x1  }
0xb8: {  	v4 =	vadd.s32 v1, v4;
	_ =	sdelay $0x3  }
0xb9: {  	v3 =	vperm.xlane v3, v2  }
0xba: {  	[tilespmem:s24], [sflag:$0x1] =	stream.indirect_vreg.gather [hbm4b:s1+s3], $0x80, v4, vm0, $0xb8;
	[tilespmem:$0x18080] =	vst v63  }
0xbb: {  	v3 =	vadd.s32 v1, v3  }
0xbc: {  	[tilespmem:s25], [sflag:$0x1] =	stream.indirect_vreg.gather [hbm4b:s5+s3], $0x80, v4, vm0, $0xb8;
	[tilespmem:$0x18080] =	vst v63  }
0xbd: {  	_ = 	snop  }
0xbe: {  	[tilespmem:s26], [sflag:$0x1] =	stream.indirect_vreg.gather [hbm4b:s6+s3], $0x80, v4, vm0, $0xb8;
	[tilespmem:$0x18080] =	vst v63  }
0xbf: {  	_ = 	snop  }
0xc0: {  	[tilespmem:s28], [sflag:$0x1] =	stream.indirect_vreg.gather [hbm4b:s1+s3], $0x80, v3, vm0, $0xb8;
	[tilespmem:$0x18080] =	vst v63  }
0xc1: {  	_ = 	snop  }
0xc2: {  	[tilespmem:s29], [sflag:$0x1] =	stream.indirect_vreg.gather [hbm4b:s5+s3], $0x80, v3, vm0, $0xb8;
	[tilespmem:$0x18080] =	vst v63  }
0xc3: {  	_ = 	snop  }
0xc4: {  	[tilespmem:s30], [sflag:$0x1] =	stream.indirect_vreg.gather [hbm4b:s6+s3], $0x80, v3, vm0, $0xb8;
	[tilespmem:$0x18080] =	vst v63  }
0xc5: {  	_ =	swait.ge [sflag:s31], $0x6000  }
0xc6: {  	[sflag:s31] =	ssyncset.done $0x0  }
0xc7: {  	[sflag:s31] =	ssyncadd.s32 $0xFFFFA000  }
0xc8: {  	[hbm4b:s4+s3] =	stream.linear.scatter [tilespmem:s9], [sflag:$0x2], $0x6000, $0x38;
	[tilespmem:$0x18080] =	vst v63  }
0xc9: {  	_ =	swait.ge [sflag:s31], $0x6000  }
0xca: {  	[sflag:s31] =	ssyncset.done $0x0  }
0xcb: {  	s12 =	rddreg [dreg:$0x5];
	[sflag:s31] =	ssyncadd.s32 $0xFFFFA000  }
0xcc: {  	[hbm4b:s12+s3] =	stream.linear.scatter [tilespmem:s10], [sflag:$0x2], $0x6000, $0x38;
	[tilespmem:$0x18080] =	vst v63  }
0xcd: {  	_ =	swait.ge [sflag:s31], $0x6000  }
0xce: {  	[sflag:s31] =	ssyncset.done $0x0  }
0xcf: {  	s12 =	rddreg [dreg:$0x6];
	[sflag:s31] =	ssyncadd.s32 $0xFFFFA000  }
0xd0: {  	[hbm4b:s12+s3] =	stream.linear.scatter [tilespmem:s11], [sflag:$0x2], $0x6000, $0x38;
	[tilespmem:$0x18080] =	vst v63  }
0xd1: {  	_ =	swait.ge [sflag:s31], $0x6000  }
0xd2: {  	[sflag:s31] =	ssyncset.done $0x0  }
0xd3: {  	s12 =	rddreg [dreg:$0x7];
	[sflag:s31] =	ssyncadd.s32 $0xFFFFA000  }
0xd4: {  	[hbm4b:s12+s3] =	stream.linear.scatter [tilespmem:s18], [sflag:$0x2], $0x6000, $0x38;
	[tilespmem:$0x18080] =	vst v63  }
0xd5: {  	_ =	swait.ge [sflag:s2], $0x6000  }
0xd6: {  	[sflag:s2] =	ssyncset.done $0x0  }
0xd7: {  	[sflag:s2] =	ssyncadd.s32 $0xFFFFA000  }
0xd8: {  	_ =	swait.ge [sflag:s2], $0x6000  }
0xd9: {  	[sflag:s2] =	ssyncset.done $0x0  }
0xda: {  	[sflag:s2] =	ssyncadd.s32 $0xFFFFA000  }
0xdb: {  	p0 =	sne.s32 s7, $0x1;
	_ =	swait.ge [sflag:s2], $0x6000  }
.Ltmp0:
0xdc: {  	[sflag:s2] =	ssyncset.done $0x0;
	(pc) =	sbr.rel @p0 .LBB2_1-.Ltmp0, $4  }
0xdd: {  	[sflag:s2] =	ssyncadd.s32 $0xFFFFA000  }
0xde: {  	_ =	swait.ge [sflag:s2], $0x6000  }
0xdf: {  	[sflag:s2] =	ssyncset.done $0x0  }
0xe0: {  	s7 =	sadd.s32 $0xFFFFFFFF, s7;
	[sflag:s2] =	ssyncadd.s32 $0xFFFFA000  }
0xe1: {  	_ =	sfence.sel $0x180000  }
0xe2: {  	[bflag:$0x0] =	sbarrier.arrive $0xFFFF  }
0xe3: {  	_ =	strace $0x90000047  }
0xe4: {  	s0 =	stileid.u32;
	[bflag:$0x2] =	sbarrier.arrive $0xFFFF  }
0xe5: {  	p0 =	sne.s32 s0, $0x0;
	s0 =	rddreg [dreg:$0x3]  }
0xe6: {  	s0 =	sadd.s32 @!p0 $0x100000, s0  }
0xe7: {  	[sflag:s0] =	ssyncadd.tile.s32 @!p0 $0x1;
	_ =	shalt  }
.Lfunc_end2:
_tile_overlayer_lowered:
.L_overlay_start_2:
0xe8: {  	(tag) =	ssettag $0x2  }
0xe9: {  	s0 =	rddreg [dreg:$0x0];
	s2 =	stileid.u32  }
0xea: {  	s1 =	rddreg [dreg:$0x1];
	p0 =	sne.s32 s2, $0x0  }
0xeb: {  	s3 =	rddreg [dreg:$0x2];
	[bflag:$0x3] =	sbarrier.arrive $0xFFFF;
	s2 =	simm.s32 @!p0 $0x1C03  }
0xec: {  	[timem:s3], [sflag:s2] =	dma.local @!p0 [hbm:s0], s1  }
0xed: {  	s0 =	simm.s32 @!p0 $0x3  }
0xee: {  	_ =	swait.ge @!p0 [sflag:s0], s1  }
0xef: {  	s1 =	ssub.s32 @!p0 $0x0, s1;
	[sflag:s0] =	ssyncset.done @!p0 $0x0  }
0xf0: {  	[sflag:s0] =	ssyncadd.s32 @!p0 s1  }
0xf1: {  	[bflag:$0x3] =	sbarrier.arrive $0xFFFF  }
0xf2: {  	_ =	shalt  }

</sc_bundles>
